<compile_context>
chip_gen: v7x
topology: tpu7x:2x2x1
jax: 0.10.2.dev20260603
libtpu: 0.0.44.dev20260713+nightly
codegen_flags: <defaults>
</compile_context>

<pallas_src>
import functools

import jax
import jax.numpy as jnp
from jax import lax
from jax.experimental import pallas as pl
from jax.experimental.pallas import tpu as pltpu
from jax.experimental.pallas import tpu_sc as plsc

_N_STATES = 100000
_ALPHABET = 128
_BATCH = 16384

_NC = 2
_NS = 16
_NW = _NC * _NS
_B_PER_W = _BATCH // _NW
_CHUNK = 128
_NCHUNK = _B_PER_W // _CHUNK
_LANES = 16


def _predictor_kernel(inp_hbm, hid_hbm, trans_hbm, pred_hbm,
                      res_hbm, nh_hbm,
                      hid_v, inp_v, idx_v, nh_v, rows_v,
                      sem_i, sem_r, sem_o):
    wid = lax.axis_index("s") * _NC + lax.axis_index("c")
    base = wid * _B_PER_W

    ld_h = pltpu.async_copy(hid_hbm.at[pl.ds(base, _B_PER_W)], hid_v, sem_i)
    ld_c = pltpu.async_copy(inp_hbm.at[pl.ds(base, _B_PER_W)], inp_v, sem_i)
    ld_h.wait()
    ld_c.wait()

    def _flat_idx(i, carry):
        j = i // (_CHUNK // _LANES)
        col = (i % (_CHUNK // _LANES)) * _LANES
        h = hid_v[pl.ds(i * _LANES, _LANES)]
        c = inp_v[pl.ds(i * _LANES, _LANES)]
        idx_v[j, pl.ds(col, _LANES)] = h * _ALPHABET + c
        return carry

    lax.fori_loop(0, _B_PER_W // _LANES, _flat_idx, 0)

    nh_copies = [
        pltpu.async_copy(trans_hbm.at[idx_v.at[j]], nh_v.at[j], sem_i)
        for j in range(_NCHUNK)
    ]
    half = _CHUNK // 2
    row_copies = []
    for j in range(_NCHUNK):
        nh_copies[j].wait()
        for s in range(2):
            k = 2 * j + s
            row_copies.append(
                pltpu.async_copy(pred_hbm.at[nh_v.at[j, pl.ds(s * half, half)]],
                                 rows_v.at[pl.ds(k * half, half)], sem_r))

    out_copies = [pltpu.async_copy(nh_v, nh_hbm.at[wid], sem_o)]
    for k in range(2 * _NCHUNK):
        row_copies[k].wait()
        out_copies.append(
            pltpu.async_copy(rows_v.at[pl.ds(k * half, half)],
                             res_hbm.at[pl.ds(base + k * half, half)],
                             sem_o))
    for c in out_copies:
        c.wait()


@jax.jit
def _run(inp, hid, trans_flat, pred):
    mesh = plsc.VectorSubcoreMesh(core_axis_name="c", subcore_axis_name="s")
    f = pl.kernel(
        _predictor_kernel,
        mesh=mesh,
        out_type=(
            jax.ShapeDtypeStruct((_BATCH, _ALPHABET), jnp.float32),
            jax.ShapeDtypeStruct((_NW, _NCHUNK, _CHUNK), jnp.int32),
        ),
        scratch_types=[
            pltpu.VMEM((_B_PER_W,), jnp.int32),
            pltpu.VMEM((_B_PER_W,), jnp.int32),
            pltpu.VMEM((_NCHUNK, _CHUNK), jnp.int32),
            pltpu.VMEM((_NCHUNK, _CHUNK), jnp.int32),
            pltpu.VMEM((_B_PER_W, _ALPHABET), jnp.float32),
            pltpu.SemaphoreType.DMA,
            pltpu.SemaphoreType.DMA,
            pltpu.SemaphoreType.DMA,
        ],
    )
    return f(inp, hid, trans_flat, pred)


def kernel(input, hidden, transitions, predictions):
    trans_flat = transitions.reshape(-1)
    result, nh = _run(input, hidden, trans_flat, predictions)
    return result, nh.reshape(-1)

# --- scband reference (transcript-rebuilt; emitter-appended) ---
"""Pipeline reference for scband-perfect-predictor-51823075394225 (READ-ONLY COPY).

The authoritative reference and input builder live on the scoring server;
editing this copy changes nothing except your own understanding.
"""

import jax, jax.numpy as jnp
import numpy as np

N_STATES = 100000
ALPHABET = 128
BATCH = 16384
LARGE_NUMBER = 1000000.0
SMALL_NUMBER = -1000000.0


def setup_inputs(seed: int = 0) -> dict:
    key = jax.random.key(seed)
    k1, k2, k3 = jax.random.split(key, 3)
    # forward args per input_specs
    inp = jax.random.randint(k1, (BATCH,), 0, ALPHABET, dtype=jnp.int32)
    hidden = jax.random.randint(k2, (BATCH,), 0, N_STATES, dtype=jnp.int32)
    # learned/derived state of the module (the WalkGraph transition table):
    # transitions[s][c] = next state after emitting character c from state s.
    # All entries valid (>= 0), mimicking a fully-connected random-walk graph.
    transitions = jax.random.randint(k3, (N_STATES, ALPHABET), 0, N_STATES, dtype=jnp.int32)
    # predictions[row] = LARGE_NUMBER where transitions[row] >= 0 else SMALL_NUMBER
    predictions = jnp.where(transitions >= 0, LARGE_NUMBER, SMALL_NUMBER).astype(jnp.float32)
    return {"input": inp, "hidden": hidden, "transitions": transitions, "predictions": predictions}


def reference(input, hidden, transitions, predictions):
    # Faithful (vectorized) translation of the per-example python loop:
    #   new_hidden[i] = transitions[hidden[i]][input[i]]
    #   result[i]     = predictions[new_hidden[i]]
    new_hidden = transitions[hidden, input]            # gather: [B]
    result = jnp.take(predictions, new_hidden, axis=0) # gather: [B, alphabet]
    return (result, new_hidden)

if __name__ == "__main__":
    import jax
    _d = setup_inputs()
    print(jax.jit(kernel)(*tuple(_d.values())))

</pallas_src>

<mosaic_0001>
#map = affine_map<(d0, d1) -> (0)>
#map1 = affine_map<(d0, d1) -> (0, 0)>
#map2 = affine_map<(d0, d1) -> (0, 0, 0)>
module attributes {stable_mosaic.version = 14 : i64} {
  func.func @_predictor_kernel(%arg0: i32, %arg1: i32, %arg2: memref<16384xi32, #tpu.memory_space<hbm>>, %arg3: memref<16384xi32, #tpu.memory_space<hbm>>, %arg4: memref<12800000xi32, #tpu.memory_space<hbm>>, %arg5: memref<100000x128xf32, #tpu.memory_space<hbm>>, %arg6: memref<16384x128xf32, #tpu.memory_space<hbm>>, %arg7: memref<32x4x128xi32, #tpu.memory_space<hbm>>, %arg8: memref<512xi32, #tpu.memory_space<vmem>>, %arg9: memref<512xi32, #tpu.memory_space<vmem>>, %arg10: memref<4x128xi32, #tpu.memory_space<vmem>>, %arg11: memref<4x128xi32, #tpu.memory_space<vmem>>, %arg12: memref<512x128xf32, #tpu.memory_space<vmem>>, %arg13: memref<!tpu.dma_semaphore, #tpu.memory_space<semaphore_mem>>, %arg14: memref<!tpu.dma_semaphore, #tpu.memory_space<semaphore_mem>>, %arg15: memref<!tpu.dma_semaphore, #tpu.memory_space<semaphore_mem>>) attributes {dimension_semantics = [#tpu.dimension_semantics<core_parallel>, #tpu.dimension_semantics<subcore_parallel>], iteration_bounds = array<i64: 2, 16>, scalar_prefetch = 0 : i64, scratch_operands = 8 : i64, tpu.core_type = #tpu.core_type<sc_vector_subcore>, window_params = [{transform_indices = #map}, {transform_indices = #map}, {transform_indices = #map}, {transform_indices = #map1}, {transform_indices = #map1}, {transform_indices = #map2}]} {
    %mul3A = arith.constant 2 : i32
    %mul3A_0 = arith.muli %arg1, %mul3A : i32
    %add3A = arith.addi %mul3A_0, %arg0 : i32
    %mul3A_1 = arith.constant 512 : i32
    %mul3A_2 = arith.muli %add3A, %mul3A_1 : i32
    %dma_start3A = tpu.memref_slice %arg3[%mul3A_2] : memref<16384xi32, #tpu.memory_space<hbm>> -> memref<512xi32, #tpu.memory_space<hbm>>
    %dma_start3A_3 = tpu.memref_slice %arg3[%mul3A_2] : memref<16384xi32, #tpu.memory_space<hbm>> -> memref<512xi32, #tpu.memory_space<hbm>>
    tpu.enqueue_dma source(%dma_start3A_3 : memref<512xi32, #tpu.memory_space<hbm>>) target(%arg8 : memref<512xi32, #tpu.memory_space<vmem>>) target_semaphore(%arg13 : memref<!tpu.dma_semaphore, #tpu.memory_space<semaphore_mem>>)
    %dma_start3A_4 = tpu.memref_slice %arg2[%mul3A_2] : memref<16384xi32, #tpu.memory_space<hbm>> -> memref<512xi32, #tpu.memory_space<hbm>>
    %dma_start3A_5 = tpu.memref_slice %arg2[%mul3A_2] : memref<16384xi32, #tpu.memory_space<hbm>> -> memref<512xi32, #tpu.memory_space<hbm>>
    tpu.enqueue_dma source(%dma_start3A_5 : memref<512xi32, #tpu.memory_space<hbm>>) target(%arg9 : memref<512xi32, #tpu.memory_space<vmem>>) target_semaphore(%arg13 : memref<!tpu.dma_semaphore, #tpu.memory_space<semaphore_mem>>)
    %dma_wait3A = tpu.memref_slice %arg3[%mul3A_2] : memref<16384xi32, #tpu.memory_space<hbm>> -> memref<512xi32, #tpu.memory_space<hbm>>
    %dma_wait3A_6 = tpu.memref_slice %arg3[%mul3A_2] : memref<16384xi32, #tpu.memory_space<hbm>> -> memref<512xi32, #tpu.memory_space<hbm>>
    tpu.wait_dma2 semaphore(%arg13 : memref<!tpu.dma_semaphore, #tpu.memory_space<semaphore_mem>>) src(%dma_wait3A_6 : memref<512xi32, #tpu.memory_space<hbm>>) dst(%arg8 : memref<512xi32, #tpu.memory_space<vmem>>)
    %dma_wait3A_7 = tpu.memref_slice %arg2[%mul3A_2] : memref<16384xi32, #tpu.memory_space<hbm>> -> memref<512xi32, #tpu.memory_space<hbm>>
    %dma_wait3A_8 = tpu.memref_slice %arg2[%mul3A_2] : memref<16384xi32, #tpu.memory_space<hbm>> -> memref<512xi32, #tpu.memory_space<hbm>>
    tpu.wait_dma2 semaphore(%arg13 : memref<!tpu.dma_semaphore, #tpu.memory_space<semaphore_mem>>) src(%dma_wait3A_8 : memref<512xi32, #tpu.memory_space<hbm>>) dst(%arg9 : memref<512xi32, #tpu.memory_space<vmem>>)
    %scan3A = arith.constant 0 : i32
    %scan3A_9 = arith.constant 0 : i32
    %scan3A_10 = arith.constant 32 : i32
    %scan3A_11 = arith.addi %scan3A_9, %scan3A_10 : i32
    %scan3A_12 = arith.constant 1 : i32
    scf.for %scan3A_446 = %scan3A_9 to %scan3A_11 step %scan3A_12  : i32 {
      %jit3A = arith.constant 8 : i32
      %div3A = arith.divsi %scan3A_446, %jit3A : i32
      %sign3A = arith.constant 0 : i32
      %sign3A_447 = arith.cmpi sgt, %scan3A_446, %sign3A : i32
      %sign3A_448 = arith.extui %sign3A_447 : i1 to i32
      %sign3A_449 = arith.constant 0 : i32
      %sign3A_450 = arith.cmpi slt, %scan3A_446, %sign3A_449 : i32
      %sign3A_451 = arith.extui %sign3A_450 : i1 to i32
      %sign3A_452 = arith.subi %sign3A_448, %sign3A_451 : i32
      %sign3A_453 = arith.constant 0 : i32
      %sign3A_454 = arith.cmpi sgt, %jit3A, %sign3A_453 : i32
      %sign3A_455 = arith.extui %sign3A_454 : i1 to i32
      %sign3A_456 = arith.constant 0 : i32
      %sign3A_457 = arith.cmpi slt, %jit3A, %sign3A_456 : i32
      %sign3A_458 = arith.extui %sign3A_457 : i1 to i32
      %sign3A_459 = arith.subi %sign3A_455, %sign3A_458 : i32
      %ne3A = arith.cmpi ne, %sign3A_452, %sign3A_459 : i32
      %rem3A = arith.remsi %scan3A_446, %jit3A : i32
      %ne3A_460 = arith.constant 0 : i32
      %ne3A_461 = arith.cmpi ne, %rem3A, %ne3A_460 : i32
      %and3A = arith.andi %ne3A, %ne3A_461 : i1
      %sub3A = arith.constant 1 : i32
      %sub3A_462 = arith.subi %div3A, %sub3A : i32
      %select_n3A = arith.select %and3A, %sub3A_462, %div3A : i32
      %jit3A_463 = arith.constant 8 : i32
      %eq3A = arith.constant 0 : i32
      %eq3A_464 = arith.cmpi eq, %jit3A_463, %eq3A : i32
      %jit3A_465 = arith.constant 1 : i32
      %select_n3A_466 = arith.select %eq3A_464, %jit3A_465, %jit3A_463 : i32
      %rem3A_467 = arith.remsi %scan3A_446, %select_n3A_466 : i32
      %ne3A_468 = arith.constant 0 : i32
      %ne3A_469 = arith.cmpi ne, %rem3A_467, %ne3A_468 : i32
      %lt3A = arith.constant 0 : i32
      %lt3A_470 = arith.cmpi slt, %rem3A_467, %lt3A : i32
      %lt3A_471 = arith.constant 0 : i32
      %lt3A_472 = arith.cmpi slt, %select_n3A_466, %lt3A_471 : i32
      %ne3A_473 = arith.xori %lt3A_470, %lt3A_472 : i1
      %and3A_474 = arith.andi %ne3A_473, %ne3A_469 : i1
      %add3A_475 = arith.addi %rem3A_467, %select_n3A_466 : i32
      %select_n3A_476 = arith.select %and3A_474, %add3A_475, %rem3A_467 : i32
      %mul3A_477 = arith.constant 16 : i32
      %mul3A_478 = arith.muli %select_n3A_476, %mul3A_477 : i32
      %mul3A_479 = arith.constant 16 : i32
      %mul3A_480 = arith.muli %scan3A_446, %mul3A_479 : i32
      %get3A = arith.index_cast %mul3A_480 : i32 to index
      %get3A_481 = tpu.vector_load %arg8[%get3A] {strides = array<i32>} : memref<512xi32, #tpu.memory_space<vmem>>, vector<16xi32>,
      %get3A_482 = vector.shape_cast %get3A_481 : vector<16xi32> to vector<16xi32>
      %mul3A_483 = arith.constant 16 : i32
      %mul3A_484 = arith.muli %scan3A_446, %mul3A_483 : i32
      %get3A_485 = arith.index_cast %mul3A_484 : i32 to index
      %get3A_486 = tpu.vector_load %arg9[%get3A_485] {strides = array<i32>} : memref<512xi32, #tpu.memory_space<vmem>>, vector<16xi32>,
      %get3A_487 = vector.shape_cast %get3A_486 : vector<16xi32> to vector<16xi32>
      %mul3A_488 = arith.constant 128 : i32
      %mul3A_489 = vector.broadcast %mul3A_488 : i32 to vector<16xi32>
      %mul3A_490 = arith.muli %get3A_482, %mul3A_489 : vector<16xi32>
      %add3A_491 = arith.addi %mul3A_490, %get3A_487 : vector<16xi32>
      %swap3A = arith.index_cast %select_n3A : i32 to index
      %swap3A_492 = arith.index_cast %mul3A_478 : i32 to index
      %swap3A_493 = tpu.vector_load %arg10[%swap3A, %swap3A_492] {strides = array<i32>} : memref<4x128xi32, #tpu.memory_space<vmem>>, vector<1x16xi32>,
      %swap3A_494 = vector.shape_cast %swap3A_493 : vector<1x16xi32> to vector<16xi32>
      %swap3A_495 = vector.shape_cast %add3A_491 : vector<16xi32> to vector<1x16xi32>
      tpu.vector_store %arg10[%swap3A, %swap3A_492], %swap3A_495 {strides = array<i32>} : memref<4x128xi32, #tpu.memory_space<vmem>>, vector<1x16xi32>,
    }
    %scan3A_13 = arith.constant 32 : i32
    %dma_start3A_14 = arith.constant 0 : i32
    %dma_start3A_15 = arith.constant 0 : i32
    %dma_start3A_16 = arith.constant 0 : i32
    %dma_start3A_17 = tpu.memref_slice %arg11[%dma_start3A_15, %dma_start3A_16] : memref<4x128xi32, #tpu.memory_space<vmem>> -> memref<1x128xi32, #tpu.memory_space<vmem>>
    %dma_start3A_18 = tpu.memref_squeeze %dma_start3A_17 : memref<1x128xi32, #tpu.memory_space<vmem>> -> memref<128xi32, #tpu.memory_space<vmem>>
    %dma_start3A_19 = arith.constant 0 : i32
    %dma_start3A_20 = tpu.memref_slice %arg10[%dma_start3A_14, %dma_start3A_19] : memref<4x128xi32, #tpu.memory_space<vmem>> -> memref<1x128xi32, #tpu.memory_space<vmem>>
    %dma_start3A_21 = tpu.memref_squeeze %dma_start3A_20 : memref<1x128xi32, #tpu.memory_space<vmem>> -> memref<128xi32, #tpu.memory_space<vmem>>
    %dma_start3A_22 = arith.constant 0 : i32
    %dma_start3A_23 = tpu.memref_slice %arg4[%dma_start3A_22] : memref<12800000xi32, #tpu.memory_space<hbm>> -> memref<12800000xi32, #tpu.memory_space<hbm>>
    tpu.enqueue_indirect_dma source(%dma_start3A_23 : memref<12800000xi32, #tpu.memory_space<hbm>>) target(%dma_start3A_18 : memref<128xi32, #tpu.memory_space<vmem>>) offsets(%dma_start3A_21 : memref<128xi32, #tpu.memory_space<vmem>>) semaphore(%arg13 : memref<!tpu.dma_semaphore, #tpu.memory_space<semaphore_mem>>)
    %dma_start3A_24 = arith.constant 1 : i32
    %dma_start3A_25 = arith.constant 1 : i32
    %dma_start3A_26 = arith.constant 0 : i32
    %dma_start3A_27 = tpu.memref_slice %arg11[%dma_start3A_25, %dma_start3A_26] : memref<4x128xi32, #tpu.memory_space<vmem>> -> memref<1x128xi32, #tpu.memory_space<vmem>>
    %dma_start3A_28 = tpu.memref_squeeze %dma_start3A_27 : memref<1x128xi32, #tpu.memory_space<vmem>> -> memref<128xi32, #tpu.memory_space<vmem>>
    %dma_start3A_29 = arith.constant 0 : i32
    %dma_start3A_30 = tpu.memref_slice %arg10[%dma_start3A_24, %dma_start3A_29] : memref<4x128xi32, #tpu.memory_space<vmem>> -> memref<1x128xi32, #tpu.memory_space<vmem>>
    %dma_start3A_31 = tpu.memref_squeeze %dma_start3A_30 : memref<1x128xi32, #tpu.memory_space<vmem>> -> memref<128xi32, #tpu.memory_space<vmem>>
    %dma_start3A_32 = arith.constant 0 : i32
    %dma_start3A_33 = tpu.memref_slice %arg4[%dma_start3A_32] : memref<12800000xi32, #tpu.memory_space<hbm>> -> memref<12800000xi32, #tpu.memory_space<hbm>>
    tpu.enqueue_indirect_dma source(%dma_start3A_33 : memref<12800000xi32, #tpu.memory_space<hbm>>) target(%dma_start3A_28 : memref<128xi32, #tpu.memory_space<vmem>>) offsets(%dma_start3A_31 : memref<128xi32, #tpu.memory_space<vmem>>) semaphore(%arg13 : memref<!tpu.dma_semaphore, #tpu.memory_space<semaphore_mem>>)
    %dma_start3A_34 = arith.constant 2 : i32
    %dma_start3A_35 = arith.constant 2 : i32
    %dma_start3A_36 = arith.constant 0 : i32
    %dma_start3A_37 = tpu.memref_slice %arg11[%dma_start3A_35, %dma_start3A_36] : memref<4x128xi32, #tpu.memory_space<vmem>> -> memref<1x128xi32, #tpu.memory_space<vmem>>
    %dma_start3A_38 = tpu.memref_squeeze %dma_start3A_37 : memref<1x128xi32, #tpu.memory_space<vmem>> -> memref<128xi32, #tpu.memory_space<vmem>>
    %dma_start3A_39 = arith.constant 0 : i32
    %dma_start3A_40 = tpu.memref_slice %arg10[%dma_start3A_34, %dma_start3A_39] : memref<4x128xi32, #tpu.memory_space<vmem>> -> memref<1x128xi32, #tpu.memory_space<vmem>>
    %dma_start3A_41 = tpu.memref_squeeze %dma_start3A_40 : memref<1x128xi32, #tpu.memory_space<vmem>> -> memref<128xi32, #tpu.memory_space<vmem>>
    %dma_start3A_42 = arith.constant 0 : i32
    %dma_start3A_43 = tpu.memref_slice %arg4[%dma_start3A_42] : memref<12800000xi32, #tpu.memory_space<hbm>> -> memref<12800000xi32, #tpu.memory_space<hbm>>
    tpu.enqueue_indirect_dma source(%dma_start3A_43 : memref<12800000xi32, #tpu.memory_space<hbm>>) target(%dma_start3A_38 : memref<128xi32, #tpu.memory_space<vmem>>) offsets(%dma_start3A_41 : memref<128xi32, #tpu.memory_space<vmem>>) semaphore(%arg13 : memref<!tpu.dma_semaphore, #tpu.memory_space<semaphore_mem>>)
    %dma_start3A_44 = arith.constant 3 : i32
    %dma_start3A_45 = arith.constant 3 : i32
    %dma_start3A_46 = arith.constant 0 : i32
    %dma_start3A_47 = tpu.memref_slice %arg11[%dma_start3A_45, %dma_start3A_46] : memref<4x128xi32, #tpu.memory_space<vmem>> -> memref<1x128xi32, #tpu.memory_space<vmem>>
    %dma_start3A_48 = tpu.memref_squeeze %dma_start3A_47 : memref<1x128xi32, #tpu.memory_space<vmem>> -> memref<128xi32, #tpu.memory_space<vmem>>
    %dma_start3A_49 = arith.constant 0 : i32
    %dma_start3A_50 = tpu.memref_slice %arg10[%dma_start3A_44, %dma_start3A_49] : memref<4x128xi32, #tpu.memory_space<vmem>> -> memref<1x128xi32, #tpu.memory_space<vmem>>
    %dma_start3A_51 = tpu.memref_squeeze %dma_start3A_50 : memref<1x128xi32, #tpu.memory_space<vmem>> -> memref<128xi32, #tpu.memory_space<vmem>>
    %dma_start3A_52 = arith.constant 0 : i32
    %dma_start3A_53 = tpu.memref_slice %arg4[%dma_start3A_52] : memref<12800000xi32, #tpu.memory_space<hbm>> -> memref<12800000xi32, #tpu.memory_space<hbm>>
    tpu.enqueue_indirect_dma source(%dma_start3A_53 : memref<12800000xi32, #tpu.memory_space<hbm>>) target(%dma_start3A_48 : memref<128xi32, #tpu.memory_space<vmem>>) offsets(%dma_start3A_51 : memref<128xi32, #tpu.memory_space<vmem>>) semaphore(%arg13 : memref<!tpu.dma_semaphore, #tpu.memory_space<semaphore_mem>>)
    %dma_wait3A_54 = arith.constant 0 : i32
    %dma_wait3A_55 = arith.constant 0 : i32
    %dma_wait3A_56 = arith.constant 0 : i32
    %dma_wait3A_57 = tpu.memref_slice %arg11[%dma_wait3A_55, %dma_wait3A_56] : memref<4x128xi32, #tpu.memory_space<vmem>> -> memref<1x128xi32, #tpu.memory_space<vmem>>
    %dma_wait3A_58 = tpu.memref_squeeze %dma_wait3A_57 : memref<1x128xi32, #tpu.memory_space<vmem>> -> memref<128xi32, #tpu.memory_space<vmem>>
    %dma_wait3A_59 = arith.constant 0 : i32
    %dma_wait3A_60 = tpu.memref_slice %arg10[%dma_wait3A_54, %dma_wait3A_59] : memref<4x128xi32, #tpu.memory_space<vmem>> -> memref<1x128xi32, #tpu.memory_space<vmem>>
    %dma_wait3A_61 = tpu.memref_squeeze %dma_wait3A_60 : memref<1x128xi32, #tpu.memory_space<vmem>> -> memref<128xi32, #tpu.memory_space<vmem>>
    %dma_wait3A_62 = arith.constant 0 : i32
    %dma_wait3A_63 = tpu.memref_slice %arg4[%dma_wait3A_62] : memref<12800000xi32, #tpu.memory_space<hbm>> -> memref<12800000xi32, #tpu.memory_space<hbm>>
    tpu.wait_indirect_dma semaphore(%arg13 : memref<!tpu.dma_semaphore, #tpu.memory_space<semaphore_mem>>) src(%dma_wait3A_63 : memref<12800000xi32, #tpu.memory_space<hbm>>) dst(%dma_wait3A_58 : memref<128xi32, #tpu.memory_space<vmem>>)
    %dma_start3A_64 = arith.constant 0 : i32
    %dma_start3A_65 = arith.constant 0 : i32
    %dma_start3A_66 = arith.constant 0 : i32
    %dma_start3A_67 = tpu.memref_slice %arg12[%dma_start3A_65, %dma_start3A_66] : memref<512x128xf32, #tpu.memory_space<vmem>> -> memref<64x128xf32, #tpu.memory_space<vmem>>
    %dma_start3A_68 = arith.constant 0 : i32
    %dma_start3A_69 = tpu.memref_slice %arg11[%dma_start3A_64, %dma_start3A_68] : memref<4x128xi32, #tpu.memory_space<vmem>> -> memref<1x64xi32, #tpu.memory_space<vmem>>
    %dma_start3A_70 = tpu.memref_squeeze %dma_start3A_69 : memref<1x64xi32, #tpu.memory_space<vmem>> -> memref<64xi32, #tpu.memory_space<vmem>>
    %dma_start3A_71 = arith.constant 0 : i32
    %dma_start3A_72 = arith.constant 0 : i32
    %dma_start3A_73 = tpu.memref_slice %arg5[%dma_start3A_71, %dma_start3A_72] : memref<100000x128xf32, #tpu.memory_space<hbm>> -> memref<100000x128xf32, #tpu.memory_space<hbm>>
    tpu.enqueue_indirect_dma source(%dma_start3A_73 : memref<100000x128xf32, #tpu.memory_space<hbm>>) target(%dma_start3A_67 : memref<64x128xf32, #tpu.memory_space<vmem>>) offsets(%dma_start3A_70 : memref<64xi32, #tpu.memory_space<vmem>>) semaphore(%arg14 : memref<!tpu.dma_semaphore, #tpu.memory_space<semaphore_mem>>)
    %dma_start3A_74 = arith.constant 0 : i32
    %dma_start3A_75 = arith.constant 64 : i32
    %dma_start3A_76 = arith.constant 0 : i32
    %dma_start3A_77 = tpu.memref_slice %arg12[%dma_start3A_75, %dma_start3A_76] : memref<512x128xf32, #tpu.memory_space<vmem>> -> memref<64x128xf32, #tpu.memory_space<vmem>>
    %dma_start3A_78 = arith.constant 64 : i32
    %dma_start3A_79 = tpu.memref_slice %arg11[%dma_start3A_74, %dma_start3A_78] : memref<4x128xi32, #tpu.memory_space<vmem>> -> memref<1x64xi32, #tpu.memory_space<vmem>>
    %dma_start3A_80 = tpu.memref_squeeze %dma_start3A_79 : memref<1x64xi32, #tpu.memory_space<vmem>> -> memref<64xi32, #tpu.memory_space<vmem>>
    %dma_start3A_81 = arith.constant 0 : i32
    %dma_start3A_82 = arith.constant 0 : i32
    %dma_start3A_83 = tpu.memref_slice %arg5[%dma_start3A_81, %dma_start3A_82] : memref<100000x128xf32, #tpu.memory_space<hbm>> -> memref<100000x128xf32, #tpu.memory_space<hbm>>
    tpu.enqueue_indirect_dma source(%dma_start3A_83 : memref<100000x128xf32, #tpu.memory_space<hbm>>) target(%dma_start3A_77 : memref<64x128xf32, #tpu.memory_space<vmem>>) offsets(%dma_start3A_80 : memref<64xi32, #tpu.memory_space<vmem>>) semaphore(%arg14 : memref<!tpu.dma_semaphore, #tpu.memory_space<semaphore_mem>>)
    %dma_wait3A_84 = arith.constant 1 : i32
    %dma_wait3A_85 = arith.constant 1 : i32
    %dma_wait3A_86 = arith.constant 0 : i32
    %dma_wait3A_87 = tpu.memref_slice %arg11[%dma_wait3A_85, %dma_wait3A_86] : memref<4x128xi32, #tpu.memory_space<vmem>> -> memref<1x128xi32, #tpu.memory_space<vmem>>
    %dma_wait3A_88 = tpu.memref_squeeze %dma_wait3A_87 : memref<1x128xi32, #tpu.memory_space<vmem>> -> memref<128xi32, #tpu.memory_space<vmem>>
    %dma_wait3A_89 = arith.constant 0 : i32
    %dma_wait3A_90 = tpu.memref_slice %arg10[%dma_wait3A_84, %dma_wait3A_89] : memref<4x128xi32, #tpu.memory_space<vmem>> -> memref<1x128xi32, #tpu.memory_space<vmem>>
    %dma_wait3A_91 = tpu.memref_squeeze %dma_wait3A_90 : memref<1x128xi32, #tpu.memory_space<vmem>> -> memref<128xi32, #tpu.memory_space<vmem>>
    %dma_wait3A_92 = arith.constant 0 : i32
    %dma_wait3A_93 = tpu.memref_slice %arg4[%dma_wait3A_92] : memref<12800000xi32, #tpu.memory_space<hbm>> -> memref<12800000xi32, #tpu.memory_space<hbm>>
    tpu.wait_indirect_dma semaphore(%arg13 : memref<!tpu.dma_semaphore, #tpu.memory_space<semaphore_mem>>) src(%dma_wait3A_93 : memref<12800000xi32, #tpu.memory_space<hbm>>) dst(%dma_wait3A_88 : memref<128xi32, #tpu.memory_space<vmem>>)
    %dma_start3A_94 = arith.constant 1 : i32
    %dma_start3A_95 = arith.constant 128 : i32
    %dma_start3A_96 = arith.constant 0 : i32
    %dma_start3A_97 = tpu.memref_slice %arg12[%dma_start3A_95, %dma_start3A_96] : memref<512x128xf32, #tpu.memory_space<vmem>> -> memref<64x128xf32, #tpu.memory_space<vmem>>
    %dma_start3A_98 = arith.constant 0 : i32
    %dma_start3A_99 = tpu.memref_slice %arg11[%dma_start3A_94, %dma_start3A_98] : memref<4x128xi32, #tpu.memory_space<vmem>> -> memref<1x64xi32, #tpu.memory_space<vmem>>
    %dma_start3A_100 = tpu.memref_squeeze %dma_start3A_99 : memref<1x64xi32, #tpu.memory_space<vmem>> -> memref<64xi32, #tpu.memory_space<vmem>>
    %dma_start3A_101 = arith.constant 0 : i32
    %dma_start3A_102 = arith.constant 0 : i32
    %dma_start3A_103 = tpu.memref_slice %arg5[%dma_start3A_101, %dma_start3A_102] : memref<100000x128xf32, #tpu.memory_space<hbm>> -> memref<100000x128xf32, #tpu.memory_space<hbm>>
    tpu.enqueue_indirect_dma source(%dma_start3A_103 : memref<100000x128xf32, #tpu.memory_space<hbm>>) target(%dma_start3A_97 : memref<64x128xf32, #tpu.memory_space<vmem>>) offsets(%dma_start3A_100 : memref<64xi32, #tpu.memory_space<vmem>>) semaphore(%arg14 : memref<!tpu.dma_semaphore, #tpu.memory_space<semaphore_mem>>)
    %dma_start3A_104 = arith.constant 1 : i32
    %dma_start3A_105 = arith.constant 192 : i32
    %dma_start3A_106 = arith.constant 0 : i32
    %dma_start3A_107 = tpu.memref_slice %arg12[%dma_start3A_105, %dma_start3A_106] : memref<512x128xf32, #tpu.memory_space<vmem>> -> memref<64x128xf32, #tpu.memory_space<vmem>>
    %dma_start3A_108 = arith.constant 64 : i32
    %dma_start3A_109 = tpu.memref_slice %arg11[%dma_start3A_104, %dma_start3A_108] : memref<4x128xi32, #tpu.memory_space<vmem>> -> memref<1x64xi32, #tpu.memory_space<vmem>>
    %dma_start3A_110 = tpu.memref_squeeze %dma_start3A_109 : memref<1x64xi32, #tpu.memory_space<vmem>> -> memref<64xi32, #tpu.memory_space<vmem>>
    %dma_start3A_111 = arith.constant 0 : i32
    %dma_start3A_112 = arith.constant 0 : i32
    %dma_start3A_113 = tpu.memref_slice %arg5[%dma_start3A_111, %dma_start3A_112] : memref<100000x128xf32, #tpu.memory_space<hbm>> -> memref<100000x128xf32, #tpu.memory_space<hbm>>
    tpu.enqueue_indirect_dma source(%dma_start3A_113 : memref<100000x128xf32, #tpu.memory_space<hbm>>) target(%dma_start3A_107 : memref<64x128xf32, #tpu.memory_space<vmem>>) offsets(%dma_start3A_110 : memref<64xi32, #tpu.memory_space<vmem>>) semaphore(%arg14 : memref<!tpu.dma_semaphore, #tpu.memory_space<semaphore_mem>>)
    %dma_wait3A_114 = arith.constant 2 : i32
    %dma_wait3A_115 = arith.constant 2 : i32
    %dma_wait3A_116 = arith.constant 0 : i32
    %dma_wait3A_117 = tpu.memref_slice %arg11[%dma_wait3A_115, %dma_wait3A_116] : memref<4x128xi32, #tpu.memory_space<vmem>> -> memref<1x128xi32, #tpu.memory_space<vmem>>
    %dma_wait3A_118 = tpu.memref_squeeze %dma_wait3A_117 : memref<1x128xi32, #tpu.memory_space<vmem>> -> memref<128xi32, #tpu.memory_space<vmem>>
    %dma_wait3A_119 = arith.constant 0 : i32
    %dma_wait3A_120 = tpu.memref_slice %arg10[%dma_wait3A_114, %dma_wait3A_119] : memref<4x128xi32, #tpu.memory_space<vmem>> -> memref<1x128xi32, #tpu.memory_space<vmem>>
    %dma_wait3A_121 = tpu.memref_squeeze %dma_wait3A_120 : memref<1x128xi32, #tpu.memory_space<vmem>> -> memref<128xi32, #tpu.memory_space<vmem>>
    %dma_wait3A_122 = arith.constant 0 : i32
    %dma_wait3A_123 = tpu.memref_slice %arg4[%dma_wait3A_122] : memref<12800000xi32, #tpu.memory_space<hbm>> -> memref<12800000xi32, #tpu.memory_space<hbm>>
    tpu.wait_indirect_dma semaphore(%arg13 : memref<!tpu.dma_semaphore, #tpu.memory_space<semaphore_mem>>) src(%dma_wait3A_123 : memref<12800000xi32, #tpu.memory_space<hbm>>) dst(%dma_wait3A_118 : memref<128xi32, #tpu.memory_space<vmem>>)
    %dma_start3A_124 = arith.constant 2 : i32
    %dma_start3A_125 = arith.constant 256 : i32
    %dma_start3A_126 = arith.constant 0 : i32
    %dma_start3A_127 = tpu.memref_slice %arg12[%dma_start3A_125, %dma_start3A_126] : memref<512x128xf32, #tpu.memory_space<vmem>> -> memref<64x128xf32, #tpu.memory_space<vmem>>
    %dma_start3A_128 = arith.constant 0 : i32
    %dma_start3A_129 = tpu.memref_slice %arg11[%dma_start3A_124, %dma_start3A_128] : memref<4x128xi32, #tpu.memory_space<vmem>> -> memref<1x64xi32, #tpu.memory_space<vmem>>
    %dma_start3A_130 = tpu.memref_squeeze %dma_start3A_129 : memref<1x64xi32, #tpu.memory_space<vmem>> -> memref<64xi32, #tpu.memory_space<vmem>>
    %dma_start3A_131 = arith.constant 0 : i32
    %dma_start3A_132 = arith.constant 0 : i32
    %dma_start3A_133 = tpu.memref_slice %arg5[%dma_start3A_131, %dma_start3A_132] : memref<100000x128xf32, #tpu.memory_space<hbm>> -> memref<100000x128xf32, #tpu.memory_space<hbm>>
    tpu.enqueue_indirect_dma source(%dma_start3A_133 : memref<100000x128xf32, #tpu.memory_space<hbm>>) target(%dma_start3A_127 : memref<64x128xf32, #tpu.memory_space<vmem>>) offsets(%dma_start3A_130 : memref<64xi32, #tpu.memory_space<vmem>>) semaphore(%arg14 : memref<!tpu.dma_semaphore, #tpu.memory_space<semaphore_mem>>)
    %dma_start3A_134 = arith.constant 2 : i32
    %dma_start3A_135 = arith.constant 320 : i32
    %dma_start3A_136 = arith.constant 0 : i32
    %dma_start3A_137 = tpu.memref_slice %arg12[%dma_start3A_135, %dma_start3A_136] : memref<512x128xf32, #tpu.memory_space<vmem>> -> memref<64x128xf32, #tpu.memory_space<vmem>>
    %dma_start3A_138 = arith.constant 64 : i32
    %dma_start3A_139 = tpu.memref_slice %arg11[%dma_start3A_134, %dma_start3A_138] : memref<4x128xi32, #tpu.memory_space<vmem>> -> memref<1x64xi32, #tpu.memory_space<vmem>>
    %dma_start3A_140 = tpu.memref_squeeze %dma_start3A_139 : memref<1x64xi32, #tpu.memory_space<vmem>> -> memref<64xi32, #tpu.memory_space<vmem>>
    %dma_start3A_141 = arith.constant 0 : i32
    %dma_start3A_142 = arith.constant 0 : i32
    %dma_start3A_143 = tpu.memref_slice %arg5[%dma_start3A_141, %dma_start3A_142] : memref<100000x128xf32, #tpu.memory_space<hbm>> -> memref<100000x128xf32, #tpu.memory_space<hbm>>
    tpu.enqueue_indirect_dma source(%dma_start3A_143 : memref<100000x128xf32, #tpu.memory_space<hbm>>) target(%dma_start3A_137 : memref<64x128xf32, #tpu.memory_space<vmem>>) offsets(%dma_start3A_140 : memref<64xi32, #tpu.memory_space<vmem>>) semaphore(%arg14 : memref<!tpu.dma_semaphore, #tpu.memory_space<semaphore_mem>>)
    %dma_wait3A_144 = arith.constant 3 : i32
    %dma_wait3A_145 = arith.constant 3 : i32
    %dma_wait3A_146 = arith.constant 0 : i32
    %dma_wait3A_147 = tpu.memref_slice %arg11[%dma_wait3A_145, %dma_wait3A_146] : memref<4x128xi32, #tpu.memory_space<vmem>> -> memref<1x128xi32, #tpu.memory_space<vmem>>
    %dma_wait3A_148 = tpu.memref_squeeze %dma_wait3A_147 : memref<1x128xi32, #tpu.memory_space<vmem>> -> memref<128xi32, #tpu.memory_space<vmem>>
    %dma_wait3A_149 = arith.constant 0 : i32
    %dma_wait3A_150 = tpu.memref_slice %arg10[%dma_wait3A_144, %dma_wait3A_149] : memref<4x128xi32, #tpu.memory_space<vmem>> -> memref<1x128xi32, #tpu.memory_space<vmem>>
    %dma_wait3A_151 = tpu.memref_squeeze %dma_wait3A_150 : memref<1x128xi32, #tpu.memory_space<vmem>> -> memref<128xi32, #tpu.memory_space<vmem>>
    %dma_wait3A_152 = arith.constant 0 : i32
    %dma_wait3A_153 = tpu.memref_slice %arg4[%dma_wait3A_152] : memref<12800000xi32, #tpu.memory_space<hbm>> -> memref<12800000xi32, #tpu.memory_space<hbm>>
    tpu.wait_indirect_dma semaphore(%arg13 : memref<!tpu.dma_semaphore, #tpu.memory_space<semaphore_mem>>) src(%dma_wait3A_153 : memref<12800000xi32, #tpu.memory_space<hbm>>) dst(%dma_wait3A_148 : memref<128xi32, #tpu.memory_space<vmem>>)
    %dma_start3A_154 = arith.constant 3 : i32
    %dma_start3A_155 = arith.constant 384 : i32
    %dma_start3A_156 = arith.constant 0 : i32
    %dma_start3A_157 = tpu.memref_slice %arg12[%dma_start3A_155, %dma_start3A_156] : memref<512x128xf32, #tpu.memory_space<vmem>> -> memref<64x128xf32, #tpu.memory_space<vmem>>
    %dma_start3A_158 = arith.constant 0 : i32
    %dma_start3A_159 = tpu.memref_slice %arg11[%dma_start3A_154, %dma_start3A_158] : memref<4x128xi32, #tpu.memory_space<vmem>> -> memref<1x64xi32, #tpu.memory_space<vmem>>
    %dma_start3A_160 = tpu.memref_squeeze %dma_start3A_159 : memref<1x64xi32, #tpu.memory_space<vmem>> -> memref<64xi32, #tpu.memory_space<vmem>>
    %dma_start3A_161 = arith.constant 0 : i32
    %dma_start3A_162 = arith.constant 0 : i32
    %dma_start3A_163 = tpu.memref_slice %arg5[%dma_start3A_161, %dma_start3A_162] : memref<100000x128xf32, #tpu.memory_space<hbm>> -> memref<100000x128xf32, #tpu.memory_space<hbm>>
    tpu.enqueue_indirect_dma source(%dma_start3A_163 : memref<100000x128xf32, #tpu.memory_space<hbm>>) target(%dma_start3A_157 : memref<64x128xf32, #tpu.memory_space<vmem>>) offsets(%dma_start3A_160 : memref<64xi32, #tpu.memory_space<vmem>>) semaphore(%arg14 : memref<!tpu.dma_semaphore, #tpu.memory_space<semaphore_mem>>)
    %dma_start3A_164 = arith.constant 3 : i32
    %dma_start3A_165 = arith.constant 448 : i32
    %dma_start3A_166 = arith.constant 0 : i32
    %dma_start3A_167 = tpu.memref_slice %arg12[%dma_start3A_165, %dma_start3A_166] : memref<512x128xf32, #tpu.memory_space<vmem>> -> memref<64x128xf32, #tpu.memory_space<vmem>>
    %dma_start3A_168 = arith.constant 64 : i32
    %dma_start3A_169 = tpu.memref_slice %arg11[%dma_start3A_164, %dma_start3A_168] : memref<4x128xi32, #tpu.memory_space<vmem>> -> memref<1x64xi32, #tpu.memory_space<vmem>>
    %dma_start3A_170 = tpu.memref_squeeze %dma_start3A_169 : memref<1x64xi32, #tpu.memory_space<vmem>> -> memref<64xi32, #tpu.memory_space<vmem>>
    %dma_start3A_171 = arith.constant 0 : i32
    %dma_start3A_172 = arith.constant 0 : i32
    %dma_start3A_173 = tpu.memref_slice %arg5[%dma_start3A_171, %dma_start3A_172] : memref<100000x128xf32, #tpu.memory_space<hbm>> -> memref<100000x128xf32, #tpu.memory_space<hbm>>
    tpu.enqueue_indirect_dma source(%dma_start3A_173 : memref<100000x128xf32, #tpu.memory_space<hbm>>) target(%dma_start3A_167 : memref<64x128xf32, #tpu.memory_space<vmem>>) offsets(%dma_start3A_170 : memref<64xi32, #tpu.memory_space<vmem>>) semaphore(%arg14 : memref<!tpu.dma_semaphore, #tpu.memory_space<semaphore_mem>>)
    %dma_start3A_174 = arith.constant 0 : i32
    %dma_start3A_175 = arith.constant 0 : i32
    %dma_start3A_176 = tpu.memref_slice %arg7[%add3A, %dma_start3A_174, %dma_start3A_175] : memref<32x4x128xi32, #tpu.memory_space<hbm>> -> memref<1x4x128xi32, #tpu.memory_space<hbm>>
    %dma_start3A_177 = tpu.memref_squeeze %dma_start3A_176 : memref<1x4x128xi32, #tpu.memory_space<hbm>> -> memref<4x128xi32, #tpu.memory_space<hbm>>
    %dma_start3A_178 = arith.constant 0 : i32
    %dma_start3A_179 = arith.constant 0 : i32
    %dma_start3A_180 = tpu.memref_slice %arg7[%add3A, %dma_start3A_178, %dma_start3A_179] : memref<32x4x128xi32, #tpu.memory_space<hbm>> -> memref<1x4x128xi32, #tpu.memory_space<hbm>>
    %dma_start3A_181 = tpu.memref_squeeze %dma_start3A_180 : memref<1x4x128xi32, #tpu.memory_space<hbm>> -> memref<4x128xi32, #tpu.memory_space<hbm>>
    tpu.enqueue_dma source(%arg11 : memref<4x128xi32, #tpu.memory_space<vmem>>) target(%dma_start3A_181 : memref<4x128xi32, #tpu.memory_space<hbm>>) target_semaphore(%arg15 : memref<!tpu.dma_semaphore, #tpu.memory_space<semaphore_mem>>)
    %dma_wait3A_182 = arith.constant 0 : i32
    %dma_wait3A_183 = arith.constant 0 : i32
    %dma_wait3A_184 = arith.constant 0 : i32
    %dma_wait3A_185 = tpu.memref_slice %arg12[%dma_wait3A_183, %dma_wait3A_184] : memref<512x128xf32, #tpu.memory_space<vmem>> -> memref<64x128xf32, #tpu.memory_space<vmem>>
    %dma_wait3A_186 = arith.constant 0 : i32
    %dma_wait3A_187 = tpu.memref_slice %arg11[%dma_wait3A_182, %dma_wait3A_186] : memref<4x128xi32, #tpu.memory_space<vmem>> -> memref<1x64xi32, #tpu.memory_space<vmem>>
    %dma_wait3A_188 = tpu.memref_squeeze %dma_wait3A_187 : memref<1x64xi32, #tpu.memory_space<vmem>> -> memref<64xi32, #tpu.memory_space<vmem>>
    %dma_wait3A_189 = arith.constant 0 : i32
    %dma_wait3A_190 = arith.constant 0 : i32
    %dma_wait3A_191 = tpu.memref_slice %arg5[%dma_wait3A_189, %dma_wait3A_190] : memref<100000x128xf32, #tpu.memory_space<hbm>> -> memref<100000x128xf32, #tpu.memory_space<hbm>>
    tpu.wait_indirect_dma semaphore(%arg14 : memref<!tpu.dma_semaphore, #tpu.memory_space<semaphore_mem>>) src(%dma_wait3A_191 : memref<100000x128xf32, #tpu.memory_space<hbm>>) dst(%dma_wait3A_185 : memref<64x128xf32, #tpu.memory_space<vmem>>)
    %add3A_192 = arith.constant 0 : i32
    %add3A_193 = arith.addi %mul3A_2, %add3A_192 : i32
    %dma_start3A_194 = arith.constant 0 : i32
    %dma_start3A_195 = arith.constant 0 : i32
    %dma_start3A_196 = tpu.memref_slice %arg12[%dma_start3A_194, %dma_start3A_195] : memref<512x128xf32, #tpu.memory_space<vmem>> -> memref<64x128xf32, #tpu.memory_space<vmem>>
    %dma_start3A_197 = arith.constant 0 : i32
    %dma_start3A_198 = tpu.memref_slice %arg6[%add3A_193, %dma_start3A_197] : memref<16384x128xf32, #tpu.memory_space<hbm>> -> memref<64x128xf32, #tpu.memory_space<hbm>>
    %dma_start3A_199 = arith.constant 0 : i32
    %dma_start3A_200 = tpu.memref_slice %arg6[%add3A_193, %dma_start3A_199] : memref<16384x128xf32, #tpu.memory_space<hbm>> -> memref<64x128xf32, #tpu.memory_space<hbm>>
    %dma_start3A_201 = arith.constant 0 : i32
    %dma_start3A_202 = arith.constant 0 : i32
    %dma_start3A_203 = tpu.memref_slice %arg12[%dma_start3A_201, %dma_start3A_202] : memref<512x128xf32, #tpu.memory_space<vmem>> -> memref<64x128xf32, #tpu.memory_space<vmem>>
    tpu.enqueue_dma source(%dma_start3A_203 : memref<64x128xf32, #tpu.memory_space<vmem>>) target(%dma_start3A_200 : memref<64x128xf32, #tpu.memory_space<hbm>>) target_semaphore(%arg15 : memref<!tpu.dma_semaphore, #tpu.memory_space<semaphore_mem>>)
    %dma_wait3A_204 = arith.constant 0 : i32
    %dma_wait3A_205 = arith.constant 64 : i32
    %dma_wait3A_206 = arith.constant 0 : i32
    %dma_wait3A_207 = tpu.memref_slice %arg12[%dma_wait3A_205, %dma_wait3A_206] : memref<512x128xf32, #tpu.memory_space<vmem>> -> memref<64x128xf32, #tpu.memory_space<vmem>>
    %dma_wait3A_208 = arith.constant 64 : i32
    %dma_wait3A_209 = tpu.memref_slice %arg11[%dma_wait3A_204, %dma_wait3A_208] : memref<4x128xi32, #tpu.memory_space<vmem>> -> memref<1x64xi32, #tpu.memory_space<vmem>>
    %dma_wait3A_210 = tpu.memref_squeeze %dma_wait3A_209 : memref<1x64xi32, #tpu.memory_space<vmem>> -> memref<64xi32, #tpu.memory_space<vmem>>
    %dma_wait3A_211 = arith.constant 0 : i32
    %dma_wait3A_212 = arith.constant 0 : i32
    %dma_wait3A_213 = tpu.memref_slice %arg5[%dma_wait3A_211, %dma_wait3A_212] : memref<100000x128xf32, #tpu.memory_space<hbm>> -> memref<100000x128xf32, #tpu.memory_space<hbm>>
    tpu.wait_indirect_dma semaphore(%arg14 : memref<!tpu.dma_semaphore, #tpu.memory_space<semaphore_mem>>) src(%dma_wait3A_213 : memref<100000x128xf32, #tpu.memory_space<hbm>>) dst(%dma_wait3A_207 : memref<64x128xf32, #tpu.memory_space<vmem>>)
    %add3A_214 = arith.constant 64 : i32
    %add3A_215 = arith.addi %mul3A_2, %add3A_214 : i32
    %dma_start3A_216 = arith.constant 64 : i32
    %dma_start3A_217 = arith.constant 0 : i32
    %dma_start3A_218 = tpu.memref_slice %arg12[%dma_start3A_216, %dma_start3A_217] : memref<512x128xf32, #tpu.memory_space<vmem>> -> memref<64x128xf32, #tpu.memory_space<vmem>>
    %dma_start3A_219 = arith.constant 0 : i32
    %dma_start3A_220 = tpu.memref_slice %arg6[%add3A_215, %dma_start3A_219] : memref<16384x128xf32, #tpu.memory_space<hbm>> -> memref<64x128xf32, #tpu.memory_space<hbm>>
    %dma_start3A_221 = arith.constant 0 : i32
    %dma_start3A_222 = tpu.memref_slice %arg6[%add3A_215, %dma_start3A_221] : memref<16384x128xf32, #tpu.memory_space<hbm>> -> memref<64x128xf32, #tpu.memory_space<hbm>>
    %dma_start3A_223 = arith.constant 64 : i32
    %dma_start3A_224 = arith.constant 0 : i32
    %dma_start3A_225 = tpu.memref_slice %arg12[%dma_start3A_223, %dma_start3A_224] : memref<512x128xf32, #tpu.memory_space<vmem>> -> memref<64x128xf32, #tpu.memory_space<vmem>>
    tpu.enqueue_dma source(%dma_start3A_225 : memref<64x128xf32, #tpu.memory_space<vmem>>) target(%dma_start3A_222 : memref<64x128xf32, #tpu.memory_space<hbm>>) target_semaphore(%arg15 : memref<!tpu.dma_semaphore, #tpu.memory_space<semaphore_mem>>)
    %dma_wait3A_226 = arith.constant 1 : i32
    %dma_wait3A_227 = arith.constant 128 : i32
    %dma_wait3A_228 = arith.constant 0 : i32
    %dma_wait3A_229 = tpu.memref_slice %arg12[%dma_wait3A_227, %dma_wait3A_228] : memref<512x128xf32, #tpu.memory_space<vmem>> -> memref<64x128xf32, #tpu.memory_space<vmem>>
    %dma_wait3A_230 = arith.constant 0 : i32
    %dma_wait3A_231 = tpu.memref_slice %arg11[%dma_wait3A_226, %dma_wait3A_230] : memref<4x128xi32, #tpu.memory_space<vmem>> -> memref<1x64xi32, #tpu.memory_space<vmem>>
    %dma_wait3A_232 = tpu.memref_squeeze %dma_wait3A_231 : memref<1x64xi32, #tpu.memory_space<vmem>> -> memref<64xi32, #tpu.memory_space<vmem>>
    %dma_wait3A_233 = arith.constant 0 : i32
    %dma_wait3A_234 = arith.constant 0 : i32
    %dma_wait3A_235 = tpu.memref_slice %arg5[%dma_wait3A_233, %dma_wait3A_234] : memref<100000x128xf32, #tpu.memory_space<hbm>> -> memref<100000x128xf32, #tpu.memory_space<hbm>>
    tpu.wait_indirect_dma semaphore(%arg14 : memref<!tpu.dma_semaphore, #tpu.memory_space<semaphore_mem>>) src(%dma_wait3A_235 : memref<100000x128xf32, #tpu.memory_space<hbm>>) dst(%dma_wait3A_229 : memref<64x128xf32, #tpu.memory_space<vmem>>)
    %add3A_236 = arith.constant 128 : i32
    %add3A_237 = arith.addi %mul3A_2, %add3A_236 : i32
    %dma_start3A_238 = arith.constant 128 : i32
    %dma_start3A_239 = arith.constant 0 : i32
    %dma_start3A_240 = tpu.memref_slice %arg12[%dma_start3A_238, %dma_start3A_239] : memref<512x128xf32, #tpu.memory_space<vmem>> -> memref<64x128xf32, #tpu.memory_space<vmem>>
    %dma_start3A_241 = arith.constant 0 : i32
    %dma_start3A_242 = tpu.memref_slice %arg6[%add3A_237, %dma_start3A_241] : memref<16384x128xf32, #tpu.memory_space<hbm>> -> memref<64x128xf32, #tpu.memory_space<hbm>>
    %dma_start3A_243 = arith.constant 0 : i32
    %dma_start3A_244 = tpu.memref_slice %arg6[%add3A_237, %dma_start3A_243] : memref<16384x128xf32, #tpu.memory_space<hbm>> -> memref<64x128xf32, #tpu.memory_space<hbm>>
    %dma_start3A_245 = arith.constant 128 : i32
    %dma_start3A_246 = arith.constant 0 : i32
    %dma_start3A_247 = tpu.memref_slice %arg12[%dma_start3A_245, %dma_start3A_246] : memref<512x128xf32, #tpu.memory_space<vmem>> -> memref<64x128xf32, #tpu.memory_space<vmem>>
    tpu.enqueue_dma source(%dma_start3A_247 : memref<64x128xf32, #tpu.memory_space<vmem>>) target(%dma_start3A_244 : memref<64x128xf32, #tpu.memory_space<hbm>>) target_semaphore(%arg15 : memref<!tpu.dma_semaphore, #tpu.memory_space<semaphore_mem>>)
    %dma_wait3A_248 = arith.constant 1 : i32
    %dma_wait3A_249 = arith.constant 192 : i32
    %dma_wait3A_250 = arith.constant 0 : i32
    %dma_wait3A_251 = tpu.memref_slice %arg12[%dma_wait3A_249, %dma_wait3A_250] : memref<512x128xf32, #tpu.memory_space<vmem>> -> memref<64x128xf32, #tpu.memory_space<vmem>>
    %dma_wait3A_252 = arith.constant 64 : i32
    %dma_wait3A_253 = tpu.memref_slice %arg11[%dma_wait3A_248, %dma_wait3A_252] : memref<4x128xi32, #tpu.memory_space<vmem>> -> memref<1x64xi32, #tpu.memory_space<vmem>>
    %dma_wait3A_254 = tpu.memref_squeeze %dma_wait3A_253 : memref<1x64xi32, #tpu.memory_space<vmem>> -> memref<64xi32, #tpu.memory_space<vmem>>
    %dma_wait3A_255 = arith.constant 0 : i32
    %dma_wait3A_256 = arith.constant 0 : i32
    %dma_wait3A_257 = tpu.memref_slice %arg5[%dma_wait3A_255, %dma_wait3A_256] : memref<100000x128xf32, #tpu.memory_space<hbm>> -> memref<100000x128xf32, #tpu.memory_space<hbm>>
    tpu.wait_indirect_dma semaphore(%arg14 : memref<!tpu.dma_semaphore, #tpu.memory_space<semaphore_mem>>) src(%dma_wait3A_257 : memref<100000x128xf32, #tpu.memory_space<hbm>>) dst(%dma_wait3A_251 : memref<64x128xf32, #tpu.memory_space<vmem>>)
    %add3A_258 = arith.constant 192 : i32
    %add3A_259 = arith.addi %mul3A_2, %add3A_258 : i32
    %dma_start3A_260 = arith.constant 192 : i32
    %dma_start3A_261 = arith.constant 0 : i32
    %dma_start3A_262 = tpu.memref_slice %arg12[%dma_start3A_260, %dma_start3A_261] : memref<512x128xf32, #tpu.memory_space<vmem>> -> memref<64x128xf32, #tpu.memory_space<vmem>>
    %dma_start3A_263 = arith.constant 0 : i32
    %dma_start3A_264 = tpu.memref_slice %arg6[%add3A_259, %dma_start3A_263] : memref<16384x128xf32, #tpu.memory_space<hbm>> -> memref<64x128xf32, #tpu.memory_space<hbm>>
    %dma_start3A_265 = arith.constant 0 : i32
    %dma_start3A_266 = tpu.memref_slice %arg6[%add3A_259, %dma_start3A_265] : memref<16384x128xf32, #tpu.memory_space<hbm>> -> memref<64x128xf32, #tpu.memory_space<hbm>>
    %dma_start3A_267 = arith.constant 192 : i32
    %dma_start3A_268 = arith.constant 0 : i32
    %dma_start3A_269 = tpu.memref_slice %arg12[%dma_start3A_267, %dma_start3A_268] : memref<512x128xf32, #tpu.memory_space<vmem>> -> memref<64x128xf32, #tpu.memory_space<vmem>>
    tpu.enqueue_dma source(%dma_start3A_269 : memref<64x128xf32, #tpu.memory_space<vmem>>) target(%dma_start3A_266 : memref<64x128xf32, #tpu.memory_space<hbm>>) target_semaphore(%arg15 : memref<!tpu.dma_semaphore, #tpu.memory_space<semaphore_mem>>)
    %dma_wait3A_270 = arith.constant 2 : i32
    %dma_wait3A_271 = arith.constant 256 : i32
    %dma_wait3A_272 = arith.constant 0 : i32
    %dma_wait3A_273 = tpu.memref_slice %arg12[%dma_wait3A_271, %dma_wait3A_272] : memref<512x128xf32, #tpu.memory_space<vmem>> -> memref<64x128xf32, #tpu.memory_space<vmem>>
    %dma_wait3A_274 = arith.constant 0 : i32
    %dma_wait3A_275 = tpu.memref_slice %arg11[%dma_wait3A_270, %dma_wait3A_274] : memref<4x128xi32, #tpu.memory_space<vmem>> -> memref<1x64xi32, #tpu.memory_space<vmem>>
    %dma_wait3A_276 = tpu.memref_squeeze %dma_wait3A_275 : memref<1x64xi32, #tpu.memory_space<vmem>> -> memref<64xi32, #tpu.memory_space<vmem>>
    %dma_wait3A_277 = arith.constant 0 : i32
    %dma_wait3A_278 = arith.constant 0 : i32
    %dma_wait3A_279 = tpu.memref_slice %arg5[%dma_wait3A_277, %dma_wait3A_278] : memref<100000x128xf32, #tpu.memory_space<hbm>> -> memref<100000x128xf32, #tpu.memory_space<hbm>>
    tpu.wait_indirect_dma semaphore(%arg14 : memref<!tpu.dma_semaphore, #tpu.memory_space<semaphore_mem>>) src(%dma_wait3A_279 : memref<100000x128xf32, #tpu.memory_space<hbm>>) dst(%dma_wait3A_273 : memref<64x128xf32, #tpu.memory_space<vmem>>)
    %add3A_280 = arith.constant 256 : i32
    %add3A_281 = arith.addi %mul3A_2, %add3A_280 : i32
    %dma_start3A_282 = arith.constant 256 : i32
    %dma_start3A_283 = arith.constant 0 : i32
    %dma_start3A_284 = tpu.memref_slice %arg12[%dma_start3A_282, %dma_start3A_283] : memref<512x128xf32, #tpu.memory_space<vmem>> -> memref<64x128xf32, #tpu.memory_space<vmem>>
    %dma_start3A_285 = arith.constant 0 : i32
    %dma_start3A_286 = tpu.memref_slice %arg6[%add3A_281, %dma_start3A_285] : memref<16384x128xf32, #tpu.memory_space<hbm>> -> memref<64x128xf32, #tpu.memory_space<hbm>>
    %dma_start3A_287 = arith.constant 0 : i32
    %dma_start3A_288 = tpu.memref_slice %arg6[%add3A_281, %dma_start3A_287] : memref<16384x128xf32, #tpu.memory_space<hbm>> -> memref<64x128xf32, #tpu.memory_space<hbm>>
    %dma_start3A_289 = arith.constant 256 : i32
    %dma_start3A_290 = arith.constant 0 : i32
    %dma_start3A_291 = tpu.memref_slice %arg12[%dma_start3A_289, %dma_start3A_290] : memref<512x128xf32, #tpu.memory_space<vmem>> -> memref<64x128xf32, #tpu.memory_space<vmem>>
    tpu.enqueue_dma source(%dma_start3A_291 : memref<64x128xf32, #tpu.memory_space<vmem>>) target(%dma_start3A_288 : memref<64x128xf32, #tpu.memory_space<hbm>>) target_semaphore(%arg15 : memref<!tpu.dma_semaphore, #tpu.memory_space<semaphore_mem>>)
    %dma_wait3A_292 = arith.constant 2 : i32
    %dma_wait3A_293 = arith.constant 320 : i32
    %dma_wait3A_294 = arith.constant 0 : i32
    %dma_wait3A_295 = tpu.memref_slice %arg12[%dma_wait3A_293, %dma_wait3A_294] : memref<512x128xf32, #tpu.memory_space<vmem>> -> memref<64x128xf32, #tpu.memory_space<vmem>>
    %dma_wait3A_296 = arith.constant 64 : i32
    %dma_wait3A_297 = tpu.memref_slice %arg11[%dma_wait3A_292, %dma_wait3A_296] : memref<4x128xi32, #tpu.memory_space<vmem>> -> memref<1x64xi32, #tpu.memory_space<vmem>>
    %dma_wait3A_298 = tpu.memref_squeeze %dma_wait3A_297 : memref<1x64xi32, #tpu.memory_space<vmem>> -> memref<64xi32, #tpu.memory_space<vmem>>
    %dma_wait3A_299 = arith.constant 0 : i32
    %dma_wait3A_300 = arith.constant 0 : i32
    %dma_wait3A_301 = tpu.memref_slice %arg5[%dma_wait3A_299, %dma_wait3A_300] : memref<100000x128xf32, #tpu.memory_space<hbm>> -> memref<100000x128xf32, #tpu.memory_space<hbm>>
    tpu.wait_indirect_dma semaphore(%arg14 : memref<!tpu.dma_semaphore, #tpu.memory_space<semaphore_mem>>) src(%dma_wait3A_301 : memref<100000x128xf32, #tpu.memory_space<hbm>>) dst(%dma_wait3A_295 : memref<64x128xf32, #tpu.memory_space<vmem>>)
    %add3A_302 = arith.constant 320 : i32
    %add3A_303 = arith.addi %mul3A_2, %add3A_302 : i32
    %dma_start3A_304 = arith.constant 320 : i32
    %dma_start3A_305 = arith.constant 0 : i32
    %dma_start3A_306 = tpu.memref_slice %arg12[%dma_start3A_304, %dma_start3A_305] : memref<512x128xf32, #tpu.memory_space<vmem>> -> memref<64x128xf32, #tpu.memory_space<vmem>>
    %dma_start3A_307 = arith.constant 0 : i32
    %dma_start3A_308 = tpu.memref_slice %arg6[%add3A_303, %dma_start3A_307] : memref<16384x128xf32, #tpu.memory_space<hbm>> -> memref<64x128xf32, #tpu.memory_space<hbm>>
    %dma_start3A_309 = arith.constant 0 : i32
    %dma_start3A_310 = tpu.memref_slice %arg6[%add3A_303, %dma_start3A_309] : memref<16384x128xf32, #tpu.memory_space<hbm>> -> memref<64x128xf32, #tpu.memory_space<hbm>>
    %dma_start3A_311 = arith.constant 320 : i32
    %dma_start3A_312 = arith.constant 0 : i32
    %dma_start3A_313 = tpu.memref_slice %arg12[%dma_start3A_311, %dma_start3A_312] : memref<512x128xf32, #tpu.memory_space<vmem>> -> memref<64x128xf32, #tpu.memory_space<vmem>>
    tpu.enqueue_dma source(%dma_start3A_313 : memref<64x128xf32, #tpu.memory_space<vmem>>) target(%dma_start3A_310 : memref<64x128xf32, #tpu.memory_space<hbm>>) target_semaphore(%arg15 : memref<!tpu.dma_semaphore, #tpu.memory_space<semaphore_mem>>)
    %dma_wait3A_314 = arith.constant 3 : i32
    %dma_wait3A_315 = arith.constant 384 : i32
    %dma_wait3A_316 = arith.constant 0 : i32
    %dma_wait3A_317 = tpu.memref_slice %arg12[%dma_wait3A_315, %dma_wait3A_316] : memref<512x128xf32, #tpu.memory_space<vmem>> -> memref<64x128xf32, #tpu.memory_space<vmem>>
    %dma_wait3A_318 = arith.constant 0 : i32
    %dma_wait3A_319 = tpu.memref_slice %arg11[%dma_wait3A_314, %dma_wait3A_318] : memref<4x128xi32, #tpu.memory_space<vmem>> -> memref<1x64xi32, #tpu.memory_space<vmem>>
    %dma_wait3A_320 = tpu.memref_squeeze %dma_wait3A_319 : memref<1x64xi32, #tpu.memory_space<vmem>> -> memref<64xi32, #tpu.memory_space<vmem>>
    %dma_wait3A_321 = arith.constant 0 : i32
    %dma_wait3A_322 = arith.constant 0 : i32
    %dma_wait3A_323 = tpu.memref_slice %arg5[%dma_wait3A_321, %dma_wait3A_322] : memref<100000x128xf32, #tpu.memory_space<hbm>> -> memref<100000x128xf32, #tpu.memory_space<hbm>>
    tpu.wait_indirect_dma semaphore(%arg14 : memref<!tpu.dma_semaphore, #tpu.memory_space<semaphore_mem>>) src(%dma_wait3A_323 : memref<100000x128xf32, #tpu.memory_space<hbm>>) dst(%dma_wait3A_317 : memref<64x128xf32, #tpu.memory_space<vmem>>)
    %add3A_324 = arith.constant 384 : i32
    %add3A_325 = arith.addi %mul3A_2, %add3A_324 : i32
    %dma_start3A_326 = arith.constant 384 : i32
    %dma_start3A_327 = arith.constant 0 : i32
    %dma_start3A_328 = tpu.memref_slice %arg12[%dma_start3A_326, %dma_start3A_327] : memref<512x128xf32, #tpu.memory_space<vmem>> -> memref<64x128xf32, #tpu.memory_space<vmem>>
    %dma_start3A_329 = arith.constant 0 : i32
    %dma_start3A_330 = tpu.memref_slice %arg6[%add3A_325, %dma_start3A_329] : memref<16384x128xf32, #tpu.memory_space<hbm>> -> memref<64x128xf32, #tpu.memory_space<hbm>>
    %dma_start3A_331 = arith.constant 0 : i32
    %dma_start3A_332 = tpu.memref_slice %arg6[%add3A_325, %dma_start3A_331] : memref<16384x128xf32, #tpu.memory_space<hbm>> -> memref<64x128xf32, #tpu.memory_space<hbm>>
    %dma_start3A_333 = arith.constant 384 : i32
    %dma_start3A_334 = arith.constant 0 : i32
    %dma_start3A_335 = tpu.memref_slice %arg12[%dma_start3A_333, %dma_start3A_334] : memref<512x128xf32, #tpu.memory_space<vmem>> -> memref<64x128xf32, #tpu.memory_space<vmem>>
    tpu.enqueue_dma source(%dma_start3A_335 : memref<64x128xf32, #tpu.memory_space<vmem>>) target(%dma_start3A_332 : memref<64x128xf32, #tpu.memory_space<hbm>>) target_semaphore(%arg15 : memref<!tpu.dma_semaphore, #tpu.memory_space<semaphore_mem>>)
    %dma_wait3A_336 = arith.constant 3 : i32
    %dma_wait3A_337 = arith.constant 448 : i32
    %dma_wait3A_338 = arith.constant 0 : i32
    %dma_wait3A_339 = tpu.memref_slice %arg12[%dma_wait3A_337, %dma_wait3A_338] : memref<512x128xf32, #tpu.memory_space<vmem>> -> memref<64x128xf32, #tpu.memory_space<vmem>>
    %dma_wait3A_340 = arith.constant 64 : i32
    %dma_wait3A_341 = tpu.memref_slice %arg11[%dma_wait3A_336, %dma_wait3A_340] : memref<4x128xi32, #tpu.memory_space<vmem>> -> memref<1x64xi32, #tpu.memory_space<vmem>>
    %dma_wait3A_342 = tpu.memref_squeeze %dma_wait3A_341 : memref<1x64xi32, #tpu.memory_space<vmem>> -> memref<64xi32, #tpu.memory_space<vmem>>
    %dma_wait3A_343 = arith.constant 0 : i32
    %dma_wait3A_344 = arith.constant 0 : i32
    %dma_wait3A_345 = tpu.memref_slice %arg5[%dma_wait3A_343, %dma_wait3A_344] : memref<100000x128xf32, #tpu.memory_space<hbm>> -> memref<100000x128xf32, #tpu.memory_space<hbm>>
    tpu.wait_indirect_dma semaphore(%arg14 : memref<!tpu.dma_semaphore, #tpu.memory_space<semaphore_mem>>) src(%dma_wait3A_345 : memref<100000x128xf32, #tpu.memory_space<hbm>>) dst(%dma_wait3A_339 : memref<64x128xf32, #tpu.memory_space<vmem>>)
    %add3A_346 = arith.constant 448 : i32
    %add3A_347 = arith.addi %mul3A_2, %add3A_346 : i32
    %dma_start3A_348 = arith.constant 448 : i32
    %dma_start3A_349 = arith.constant 0 : i32
    %dma_start3A_350 = tpu.memref_slice %arg12[%dma_start3A_348, %dma_start3A_349] : memref<512x128xf32, #tpu.memory_space<vmem>> -> memref<64x128xf32, #tpu.memory_space<vmem>>
    %dma_start3A_351 = arith.constant 0 : i32
    %dma_start3A_352 = tpu.memref_slice %arg6[%add3A_347, %dma_start3A_351] : memref<16384x128xf32, #tpu.memory_space<hbm>> -> memref<64x128xf32, #tpu.memory_space<hbm>>
    %dma_start3A_353 = arith.constant 0 : i32
    %dma_start3A_354 = tpu.memref_slice %arg6[%add3A_347, %dma_start3A_353] : memref<16384x128xf32, #tpu.memory_space<hbm>> -> memref<64x128xf32, #tpu.memory_space<hbm>>
    %dma_start3A_355 = arith.constant 448 : i32
    %dma_start3A_356 = arith.constant 0 : i32
    %dma_start3A_357 = tpu.memref_slice %arg12[%dma_start3A_355, %dma_start3A_356] : memref<512x128xf32, #tpu.memory_space<vmem>> -> memref<64x128xf32, #tpu.memory_space<vmem>>
    tpu.enqueue_dma source(%dma_start3A_357 : memref<64x128xf32, #tpu.memory_space<vmem>>) target(%dma_start3A_354 : memref<64x128xf32, #tpu.memory_space<hbm>>) target_semaphore(%arg15 : memref<!tpu.dma_semaphore, #tpu.memory_space<semaphore_mem>>)
    %dma_wait3A_358 = arith.constant 0 : i32
    %dma_wait3A_359 = arith.constant 0 : i32
    %dma_wait3A_360 = tpu.memref_slice %arg7[%add3A, %dma_wait3A_358, %dma_wait3A_359] : memref<32x4x128xi32, #tpu.memory_space<hbm>> -> memref<1x4x128xi32, #tpu.memory_space<hbm>>
    %dma_wait3A_361 = tpu.memref_squeeze %dma_wait3A_360 : memref<1x4x128xi32, #tpu.memory_space<hbm>> -> memref<4x128xi32, #tpu.memory_space<hbm>>
    %dma_wait3A_362 = arith.constant 0 : i32
    %dma_wait3A_363 = arith.constant 0 : i32
    %dma_wait3A_364 = tpu.memref_slice %arg7[%add3A, %dma_wait3A_362, %dma_wait3A_363] : memref<32x4x128xi32, #tpu.memory_space<hbm>> -> memref<1x4x128xi32, #tpu.memory_space<hbm>>
    %dma_wait3A_365 = tpu.memref_squeeze %dma_wait3A_364 : memref<1x4x128xi32, #tpu.memory_space<hbm>> -> memref<4x128xi32, #tpu.memory_space<hbm>>
    tpu.wait_dma2 semaphore(%arg15 : memref<!tpu.dma_semaphore, #tpu.memory_space<semaphore_mem>>) src(%arg11 : memref<4x128xi32, #tpu.memory_space<vmem>>) dst(%dma_wait3A_365 : memref<4x128xi32, #tpu.memory_space<hbm>>)
    %dma_wait3A_366 = arith.constant 0 : i32
    %dma_wait3A_367 = arith.constant 0 : i32
    %dma_wait3A_368 = tpu.memref_slice %arg12[%dma_wait3A_366, %dma_wait3A_367] : memref<512x128xf32, #tpu.memory_space<vmem>> -> memref<64x128xf32, #tpu.memory_space<vmem>>
    %dma_wait3A_369 = arith.constant 0 : i32
    %dma_wait3A_370 = tpu.memref_slice %arg6[%add3A_193, %dma_wait3A_369] : memref<16384x128xf32, #tpu.memory_space<hbm>> -> memref<64x128xf32, #tpu.memory_space<hbm>>
    %dma_wait3A_371 = arith.constant 0 : i32
    %dma_wait3A_372 = tpu.memref_slice %arg6[%add3A_193, %dma_wait3A_371] : memref<16384x128xf32, #tpu.memory_space<hbm>> -> memref<64x128xf32, #tpu.memory_space<hbm>>
    %dma_wait3A_373 = arith.constant 0 : i32
    %dma_wait3A_374 = arith.constant 0 : i32
    %dma_wait3A_375 = tpu.memref_slice %arg12[%dma_wait3A_373, %dma_wait3A_374] : memref<512x128xf32, #tpu.memory_space<vmem>> -> memref<64x128xf32, #tpu.memory_space<vmem>>
    tpu.wait_dma2 semaphore(%arg15 : memref<!tpu.dma_semaphore, #tpu.memory_space<semaphore_mem>>) src(%dma_wait3A_375 : memref<64x128xf32, #tpu.memory_space<vmem>>) dst(%dma_wait3A_372 : memref<64x128xf32, #tpu.memory_space<hbm>>)
    %dma_wait3A_376 = arith.constant 64 : i32
    %dma_wait3A_377 = arith.constant 0 : i32
    %dma_wait3A_378 = tpu.memref_slice %arg12[%dma_wait3A_376, %dma_wait3A_377] : memref<512x128xf32, #tpu.memory_space<vmem>> -> memref<64x128xf32, #tpu.memory_space<vmem>>
    %dma_wait3A_379 = arith.constant 0 : i32
    %dma_wait3A_380 = tpu.memref_slice %arg6[%add3A_215, %dma_wait3A_379] : memref<16384x128xf32, #tpu.memory_space<hbm>> -> memref<64x128xf32, #tpu.memory_space<hbm>>
    %dma_wait3A_381 = arith.constant 0 : i32
    %dma_wait3A_382 = tpu.memref_slice %arg6[%add3A_215, %dma_wait3A_381] : memref<16384x128xf32, #tpu.memory_space<hbm>> -> memref<64x128xf32, #tpu.memory_space<hbm>>
    %dma_wait3A_383 = arith.constant 64 : i32
    %dma_wait3A_384 = arith.constant 0 : i32
    %dma_wait3A_385 = tpu.memref_slice %arg12[%dma_wait3A_383, %dma_wait3A_384] : memref<512x128xf32, #tpu.memory_space<vmem>> -> memref<64x128xf32, #tpu.memory_space<vmem>>
    tpu.wait_dma2 semaphore(%arg15 : memref<!tpu.dma_semaphore, #tpu.memory_space<semaphore_mem>>) src(%dma_wait3A_385 : memref<64x128xf32, #tpu.memory_space<vmem>>) dst(%dma_wait3A_382 : memref<64x128xf32, #tpu.memory_space<hbm>>)
    %dma_wait3A_386 = arith.constant 128 : i32
    %dma_wait3A_387 = arith.constant 0 : i32
    %dma_wait3A_388 = tpu.memref_slice %arg12[%dma_wait3A_386, %dma_wait3A_387] : memref<512x128xf32, #tpu.memory_space<vmem>> -> memref<64x128xf32, #tpu.memory_space<vmem>>
    %dma_wait3A_389 = arith.constant 0 : i32
    %dma_wait3A_390 = tpu.memref_slice %arg6[%add3A_237, %dma_wait3A_389] : memref<16384x128xf32, #tpu.memory_space<hbm>> -> memref<64x128xf32, #tpu.memory_space<hbm>>
    %dma_wait3A_391 = arith.constant 0 : i32
    %dma_wait3A_392 = tpu.memref_slice %arg6[%add3A_237, %dma_wait3A_391] : memref<16384x128xf32, #tpu.memory_space<hbm>> -> memref<64x128xf32, #tpu.memory_space<hbm>>
    %dma_wait3A_393 = arith.constant 128 : i32
    %dma_wait3A_394 = arith.constant 0 : i32
    %dma_wait3A_395 = tpu.memref_slice %arg12[%dma_wait3A_393, %dma_wait3A_394] : memref<512x128xf32, #tpu.memory_space<vmem>> -> memref<64x128xf32, #tpu.memory_space<vmem>>
    tpu.wait_dma2 semaphore(%arg15 : memref<!tpu.dma_semaphore, #tpu.memory_space<semaphore_mem>>) src(%dma_wait3A_395 : memref<64x128xf32, #tpu.memory_space<vmem>>) dst(%dma_wait3A_392 : memref<64x128xf32, #tpu.memory_space<hbm>>)
    %dma_wait3A_396 = arith.constant 192 : i32
    %dma_wait3A_397 = arith.constant 0 : i32
    %dma_wait3A_398 = tpu.memref_slice %arg12[%dma_wait3A_396, %dma_wait3A_397] : memref<512x128xf32, #tpu.memory_space<vmem>> -> memref<64x128xf32, #tpu.memory_space<vmem>>
    %dma_wait3A_399 = arith.constant 0 : i32
    %dma_wait3A_400 = tpu.memref_slice %arg6[%add3A_259, %dma_wait3A_399] : memref<16384x128xf32, #tpu.memory_space<hbm>> -> memref<64x128xf32, #tpu.memory_space<hbm>>
    %dma_wait3A_401 = arith.constant 0 : i32
    %dma_wait3A_402 = tpu.memref_slice %arg6[%add3A_259, %dma_wait3A_401] : memref<16384x128xf32, #tpu.memory_space<hbm>> -> memref<64x128xf32, #tpu.memory_space<hbm>>
    %dma_wait3A_403 = arith.constant 192 : i32
    %dma_wait3A_404 = arith.constant 0 : i32
    %dma_wait3A_405 = tpu.memref_slice %arg12[%dma_wait3A_403, %dma_wait3A_404] : memref<512x128xf32, #tpu.memory_space<vmem>> -> memref<64x128xf32, #tpu.memory_space<vmem>>
    tpu.wait_dma2 semaphore(%arg15 : memref<!tpu.dma_semaphore, #tpu.memory_space<semaphore_mem>>) src(%dma_wait3A_405 : memref<64x128xf32, #tpu.memory_space<vmem>>) dst(%dma_wait3A_402 : memref<64x128xf32, #tpu.memory_space<hbm>>)
    %dma_wait3A_406 = arith.constant 256 : i32
    %dma_wait3A_407 = arith.constant 0 : i32
    %dma_wait3A_408 = tpu.memref_slice %arg12[%dma_wait3A_406, %dma_wait3A_407] : memref<512x128xf32, #tpu.memory_space<vmem>> -> memref<64x128xf32, #tpu.memory_space<vmem>>
    %dma_wait3A_409 = arith.constant 0 : i32
    %dma_wait3A_410 = tpu.memref_slice %arg6[%add3A_281, %dma_wait3A_409] : memref<16384x128xf32, #tpu.memory_space<hbm>> -> memref<64x128xf32, #tpu.memory_space<hbm>>
    %dma_wait3A_411 = arith.constant 0 : i32
    %dma_wait3A_412 = tpu.memref_slice %arg6[%add3A_281, %dma_wait3A_411] : memref<16384x128xf32, #tpu.memory_space<hbm>> -> memref<64x128xf32, #tpu.memory_space<hbm>>
    %dma_wait3A_413 = arith.constant 256 : i32
    %dma_wait3A_414 = arith.constant 0 : i32
    %dma_wait3A_415 = tpu.memref_slice %arg12[%dma_wait3A_413, %dma_wait3A_414] : memref<512x128xf32, #tpu.memory_space<vmem>> -> memref<64x128xf32, #tpu.memory_space<vmem>>
    tpu.wait_dma2 semaphore(%arg15 : memref<!tpu.dma_semaphore, #tpu.memory_space<semaphore_mem>>) src(%dma_wait3A_415 : memref<64x128xf32, #tpu.memory_space<vmem>>) dst(%dma_wait3A_412 : memref<64x128xf32, #tpu.memory_space<hbm>>)
    %dma_wait3A_416 = arith.constant 320 : i32
    %dma_wait3A_417 = arith.constant 0 : i32
    %dma_wait3A_418 = tpu.memref_slice %arg12[%dma_wait3A_416, %dma_wait3A_417] : memref<512x128xf32, #tpu.memory_space<vmem>> -> memref<64x128xf32, #tpu.memory_space<vmem>>
    %dma_wait3A_419 = arith.constant 0 : i32
    %dma_wait3A_420 = tpu.memref_slice %arg6[%add3A_303, %dma_wait3A_419] : memref<16384x128xf32, #tpu.memory_space<hbm>> -> memref<64x128xf32, #tpu.memory_space<hbm>>
    %dma_wait3A_421 = arith.constant 0 : i32
    %dma_wait3A_422 = tpu.memref_slice %arg6[%add3A_303, %dma_wait3A_421] : memref<16384x128xf32, #tpu.memory_space<hbm>> -> memref<64x128xf32, #tpu.memory_space<hbm>>
    %dma_wait3A_423 = arith.constant 320 : i32
    %dma_wait3A_424 = arith.constant 0 : i32
    %dma_wait3A_425 = tpu.memref_slice %arg12[%dma_wait3A_423, %dma_wait3A_424] : memref<512x128xf32, #tpu.memory_space<vmem>> -> memref<64x128xf32, #tpu.memory_space<vmem>>
    tpu.wait_dma2 semaphore(%arg15 : memref<!tpu.dma_semaphore, #tpu.memory_space<semaphore_mem>>) src(%dma_wait3A_425 : memref<64x128xf32, #tpu.memory_space<vmem>>) dst(%dma_wait3A_422 : memref<64x128xf32, #tpu.memory_space<hbm>>)
    %dma_wait3A_426 = arith.constant 384 : i32
    %dma_wait3A_427 = arith.constant 0 : i32
    %dma_wait3A_428 = tpu.memref_slice %arg12[%dma_wait3A_426, %dma_wait3A_427] : memref<512x128xf32, #tpu.memory_space<vmem>> -> memref<64x128xf32, #tpu.memory_space<vmem>>
    %dma_wait3A_429 = arith.constant 0 : i32
    %dma_wait3A_430 = tpu.memref_slice %arg6[%add3A_325, %dma_wait3A_429] : memref<16384x128xf32, #tpu.memory_space<hbm>> -> memref<64x128xf32, #tpu.memory_space<hbm>>
    %dma_wait3A_431 = arith.constant 0 : i32
    %dma_wait3A_432 = tpu.memref_slice %arg6[%add3A_325, %dma_wait3A_431] : memref<16384x128xf32, #tpu.memory_space<hbm>> -> memref<64x128xf32, #tpu.memory_space<hbm>>
    %dma_wait3A_433 = arith.constant 384 : i32
    %dma_wait3A_434 = arith.constant 0 : i32
    %dma_wait3A_435 = tpu.memref_slice %arg12[%dma_wait3A_433, %dma_wait3A_434] : memref<512x128xf32, #tpu.memory_space<vmem>> -> memref<64x128xf32, #tpu.memory_space<vmem>>
    tpu.wait_dma2 semaphore(%arg15 : memref<!tpu.dma_semaphore, #tpu.memory_space<semaphore_mem>>) src(%dma_wait3A_435 : memref<64x128xf32, #tpu.memory_space<vmem>>) dst(%dma_wait3A_432 : memref<64x128xf32, #tpu.memory_space<hbm>>)
    %dma_wait3A_436 = arith.constant 448 : i32
    %dma_wait3A_437 = arith.constant 0 : i32
    %dma_wait3A_438 = tpu.memref_slice %arg12[%dma_wait3A_436, %dma_wait3A_437] : memref<512x128xf32, #tpu.memory_space<vmem>> -> memref<64x128xf32, #tpu.memory_space<vmem>>
    %dma_wait3A_439 = arith.constant 0 : i32
    %dma_wait3A_440 = tpu.memref_slice %arg6[%add3A_347, %dma_wait3A_439] : memref<16384x128xf32, #tpu.memory_space<hbm>> -> memref<64x128xf32, #tpu.memory_space<hbm>>
    %dma_wait3A_441 = arith.constant 0 : i32
    %dma_wait3A_442 = tpu.memref_slice %arg6[%add3A_347, %dma_wait3A_441] : memref<16384x128xf32, #tpu.memory_space<hbm>> -> memref<64x128xf32, #tpu.memory_space<hbm>>
    %dma_wait3A_443 = arith.constant 448 : i32
    %dma_wait3A_444 = arith.constant 0 : i32
    %dma_wait3A_445 = tpu.memref_slice %arg12[%dma_wait3A_443, %dma_wait3A_444] : memref<512x128xf32, #tpu.memory_space<vmem>> -> memref<64x128xf32, #tpu.memory_space<vmem>>
    tpu.wait_dma2 semaphore(%arg15 : memref<!tpu.dma_semaphore, #tpu.memory_space<semaphore_mem>>) src(%dma_wait3A_445 : memref<64x128xf32, #tpu.memory_space<vmem>>) dst(%dma_wait3A_442 : memref<64x128xf32, #tpu.memory_space<hbm>>)
    return
  }
}

</mosaic_0001>

<sc_bundles>
// kernel: _run.3.cloned.1.call-start
scs
__scs_entry_jumppad:
0x0: {  	(pc) =	sbr.rel $0x88, $3  }
0x1: {  	(tag) =	ssettag $0x0;
	lr =	simm.s32 $0x1  }
0x2: {  	[smem:$0x3F9D] =	sst lr;
	_ =	strace $0xD0000000  }
0x3: {  	_ = 	snop  }
0x4: {  	_ = 	snop  }
0x5: {  	_ = 	snop  }
0x6: {  	_ = 	snop  }
0x7: {  	_ = 	snop  }
__scs_overlays_trampoline_lowered:
0x8: {  	[smem:$0x3FAC] =	sst s0  }
0x9: {  	[smem:$0x3FAD] =	sst s1  }
0xa: {  	[smem:$0x3FAE] =	sst s2  }
0xb: {  	[smem:$0x3FAF] =	sst s3  }
0xc: {  	[smem:$0x3FB0] =	sst s4  }
0xd: {  	[smem:$0x3FB1] =	sst s5  }
0xe: {  	[smem:$0x3FB2] =	sst s6  }
0xf: {  	[smem:$0x3FB3] =	sst s7  }
0x10: {  	[smem:$0x3FB4] =	sst s8  }
0x11: {  	[smem:$0x3FB5] =	sst s9;
	s0 =	simm.s32 @!p0 $0x0  }
0x12: {  	s1 =	sld [smem:$0x3F9B];
	s0 =	simm.s32 @p0 $0x1  }
0x13: {  	[smem:$0x3FB6] =	sst s0;
	s0 =	simm.s32 @!p1 $0x0  }
0x14: {  	s2 =	sld [smem:$0x3F9A];
	s0 =	simm.s32 @p1 $0x1  }
0x15: {  	[smem:$0x3FB7] =	sst s0;
	s0 =	simm.s32 @!p2 $0x0  }
0x16: {  	s3 =	sld [smem:$0x3FDB];
	s0 =	simm.s32 @p2 $0x1  }
0x17: {  	s4 =	simm.s32 $0x1BF5;
	[smem:$0x3FB9] =	sst s0  }
0x18: {  	s0 =	sld [smem:$0x3F9C];
	_ =	swait.ge [sflag:s4], $0x0  }
0x19: {  	s7 =	sld [smem:$0x3F9D]  }
0x1a: {  	s8 =	sadd.s32 $0xFFFFE003, lr  }
0x1b: {  	s9 =	sadd.s32 $0xFFFFFEF7, lr;
	s5 =	simm.s32 $0xFFFFFFFF;
	p2 =	slt.u32 s8, $0xFFFFF086  }
0x1c: {  	p1 =	slt.u32 s9, $0xF7A;
	s5 =	simm.s32 @!p2 $0x0  }
0x1d: {  	s5 =	simm.s32 @p1 $0x1;
	p0 =	seq.s32 s7, s2  }
0x1e: {  	s7 =	smul.u32 @!p0 $0xF7A, s2;
	p2 =	seq.s32 @!p0 s5, $0x0  }
0x1f: {  	s9 =	smul.u32 $0xF7A, s1;
	s8 =	simm.s32 @!p0 $0x1BF5;
	p2 =	por !p2, p0  }
0x20: {  	[sflag:s8] =	ssyncset.s32 @!p0 $0xFFFFF086;
	s6 =	sadd.s32 @!p0 s3, s7;
	s7 =	simm.s32 @!p0 $0x108  }
0x21: {  	s3 =	sadd.s32 s3, s9;
	s6 =	sadd.s32 @!p0 $0x88, s6;
	s7 =	simm.s32 @p2 $0x1082  }
0x22: {  	[simem:s7], [sflag:s8] =	dma.local @!p0 [hbm:s6], $0xF7A  }
0x23: {  	s9 =	sor.u32 $0xD0000000, s2;
	s6 =	simm.s32 $0x108;
	_ =	swait.ge @!p0 [sflag:s8], $0x0  }
0x24: {  	s3 =	sadd.s32 $0x88, s3;
	s6 =	simm.s32 @!p1 $0x1082;
	[sflag:s4] =	ssyncset.s32 $0xFFFFF086  }
0x25: {  	[simem:s6], [sflag:s4] =	dma.local [hbm:s3], $0xF7A  }
0x26: {  	[smem:$0x3F9D] =	sst s1;
	(tag) =	ssettag s2;
	_ =	strace s9  }
0x27: {  	s1 =	sld [smem:$0x3FAD]  }
0x28: {  	s2 =	sld [smem:$0x3FAE]  }
0x29: {  	s4 =	sld [smem:$0x3FB0]  }
0x2a: {  	p0 =	seq.s32 s5, $0x0;
	s5 =	sld [smem:$0x3FB1]  }
0x2b: {  	s6 =	sld [smem:$0x3FB2]  }
0x2c: {  	s7 =	sld [smem:$0x3FB3]  }
0x2d: {  	s3 =	simm.s32 $0x108;
	s8 =	sld [smem:$0x3FB4]  }
0x2e: {  	s3 =	simm.s32 @!p0 $0x1082;
	s9 =	sld [smem:$0x3FB5]  }
0x2f: {  	lr =	sadd.s32 s0, s3;
	s0 =	sld [smem:$0x3FAC]  }
0x30: {  	s3 =	sld [smem:$0x3FAF]  }
0x31: {  	[smem:$0x3FB8] =	sst s10  }
0x32: {  	s10 =	sld [smem:$0x3FB6];
	_ =	sdelay $0x3  }
0x33: {  	p0 =	seq.s32 s10, $0x1;
	s10 =	sld [smem:$0x3FB8];
	_ =	sdelay $0x3  }
0x34: {  	[smem:$0x3FB8] =	sst s10  }
0x35: {  	s10 =	sld [smem:$0x3FB7];
	_ =	sdelay $0x3  }
0x36: {  	p1 =	seq.s32 s10, $0x1;
	s10 =	sld [smem:$0x3FB8];
	_ =	sdelay $0x3  }
0x37: {  	[smem:$0x3FB8] =	sst s10  }
0x38: {  	s10 =	sld [smem:$0x3FB9]  }
0x39: {  	_ = 	snop;
	(pc) =	sbr.ind lr, $3  }
0x3a: {  	_ = 	snop  }
0x3b: {  	_ = 	snop  }
0x3c: {  	p2 =	seq.s32 s10, $0x1;
	s10 =	sld [smem:$0x3FB8]  }
0x3d: {  	_ =	shalt  }
0x3e: {  	_ =	shalt  }
0x3f: {  	_ =	shalt  }
0x40: {  	_ =	shalt  }
0x41: {  	_ =	shalt  }
0x42: {  	_ =	shalt  }
0x43: {  	_ =	shalt  }
0x44: {  	_ =	shalt  }
0x45: {  	_ =	shalt  }
0x46: {  	_ =	shalt  }
0x47: {  	_ =	shalt  }
0x48: {  	_ =	shalt  }
0x49: {  	_ =	shalt  }
0x4a: {  	_ =	shalt  }
0x4b: {  	_ =	shalt  }
0x4c: {  	_ =	shalt  }
0x4d: {  	_ =	shalt  }
0x4e: {  	_ =	shalt  }
0x4f: {  	_ =	shalt  }
0x50: {  	_ =	shalt  }
0x51: {  	_ =	shalt  }
0x52: {  	_ =	shalt  }
0x53: {  	_ =	shalt  }
0x54: {  	_ =	shalt  }
0x55: {  	_ =	shalt  }
0x56: {  	_ =	shalt  }
0x57: {  	_ =	shalt  }
0x58: {  	_ =	shalt  }
0x59: {  	_ =	shalt  }
0x5a: {  	_ =	shalt  }
0x5b: {  	_ =	shalt  }
0x5c: {  	_ =	shalt  }
0x5d: {  	_ =	shalt  }
0x5e: {  	_ =	shalt  }
0x5f: {  	_ =	shalt  }
0x60: {  	_ =	shalt  }
0x61: {  	_ =	shalt  }
0x62: {  	_ =	shalt  }
0x63: {  	_ =	shalt  }
0x64: {  	_ =	shalt  }
0x65: {  	_ =	shalt  }
0x66: {  	_ =	shalt  }
0x67: {  	_ =	shalt  }
0x68: {  	_ =	shalt  }
0x69: {  	_ =	shalt  }
0x6a: {  	_ =	shalt  }
0x6b: {  	_ =	shalt  }
0x6c: {  	_ =	shalt  }
0x6d: {  	_ =	shalt  }
0x6e: {  	_ =	shalt  }
0x6f: {  	_ =	shalt  }
0x70: {  	_ =	shalt  }
0x71: {  	_ =	shalt  }
0x72: {  	_ =	shalt  }
0x73: {  	_ =	shalt  }
0x74: {  	_ =	shalt  }
0x75: {  	_ =	shalt  }
0x76: {  	_ =	shalt  }
0x77: {  	_ =	shalt  }
0x78: {  	_ =	shalt  }
0x79: {  	_ =	shalt  }
0x7a: {  	_ =	shalt  }
0x7b: {  	_ =	shalt  }
0x7c: {  	_ =	shalt  }
0x7d: {  	_ =	shalt  }
0x7e: {  	_ =	shalt  }
0x7f: {  	_ =	shalt  }
0x80: {  	_ =	shalt  }
0x81: {  	_ =	shalt  }
0x82: {  	_ =	shalt  }
0x83: {  	_ =	shalt  }
0x84: {  	_ =	shalt  }
0x85: {  	_ =	shalt  }
0x86: {  	_ =	shalt  }
0x87: {  	_ =	shalt  }
.Lfunc_end0:
.L_simem_size_0:
called_computation_lowered:
.L_overlay_start_0:
0x88: {  	s2 =	sld [smem:$0x3FD9]  }
0x89: {  	s3 =	sld [smem:$0x3FFE];
	_ =	sdelay $0x1  }
0x8a: {  	s1 =	srdreg.scid  }
0x8b: {  	s0 =	sand.u32 $0x1, s1  }
0x8c: {  	s15 =	sshll.u32 s0, $0xA;
	s2 =	sadd.s32 s3, s2  }
0x8d: {  	s2 =	sadd.s32 s2, s15  }
0x8e: {  	[smem:$0x3FC4] =	sst s2  }
0x8f: {  	_ = 	snop  }
0x90: {  	s2 =	sld [smem:$0x3FC9]  }
0x91: {  	s16 =	sld [smem:$0x3FD0]  }
0x92: {  	s4 =	sld [smem:$0x3FC8]  }
0x93: {  	s5 =	sld [smem:$0x3FC7]  }
0x94: {  	s7 =	simm.s32 $0xA;
	s8 =	simm.s32 $0x10;
	s6 =	sld [smem:$0x3FC6]  }
0x95: {  	[smem:s8], [sflag:s7] =	dma.local [hbm:s16], $0x1  }
0x96: {  	_ =	swait.eq [sflag:s7], $0x1  }
0x97: {  	[sflag:s7] =	ssyncset.done $0x0  }
0x98: {  	s17 =	sld [smem:$0x10];
	[sflag:s7] =	ssyncadd.s32 $0xFFFFFFFF  }
0x99: {  	s18 =	sld [smem:$0x11];
	(tm) =	ssettm $0x1  }
0x9a: {  	s19 =	sld [smem:$0x3FFB];
	_ =	sdelay $0x3  }
0x9b: {  	_ =	strace s19  }
0x9c: {  	s8 =	sld [smem:$0x3FFC];
	_ =	sdelay $0x3  }
0x9d: {  	_ =	strace s8  }
0x9e: {  	s8 =	sld [smem:$0x3FFD];
	_ =	sdelay $0x3  }
0x9f: {  	_ =	strace s8  }
0xa0: {  	_ =	strace $0x8FFFFFFF  }
0xa1: {  	s20 =	sld [smem:$0x3FDB];
	_ =	sdelay $0x1  }
0xa2: {  	s9 =	simm.s32 $_scs_section_size  }
0xa3: {  	s10 =	simm.s32 $_size__tile_overlayer_lowered;
	s11 =	simm.s32 $_tile_overlayer_lowered  }
0xa4: {  	s23 =	simm.s32 $0x1BFF;
	s22 =	sshll.u32 s11, $0x1;
	s8 =	sadd.s32 s9, s20  }
0xa5: {  	s12 =	simm.s32 $0x0;
	s21 =	sshll.u32 s10, $0x1;
	s10 =	sadd.s32 s22, s8  }
0xa6: {  	[timem:s12], [sflag:s23] =	dma.local [hbm:s10], s21  }
0xa7: {  	_ =	swait.ge [sflag:s23], s21  }
0xa8: {  	s9 =	ssub.s32 $0x0, s21;
	[sflag:s23] =	ssyncset.done $0x0  }
0xa9: {  	[sflag:s23] =	ssyncadd.s32 s9;
	_ =	sdelay $0x1  }
0xaa: {  	s24 =	simm.s32 $0x1B8B  }
0xab: {  	_ =	swait.ge [sflag:s24], $0x1  }
0xac: {  	[sflag:s24] =	ssyncset.done $0x0  }
0xad: {  	s25 =	simm.s32 $0x1B8E;
	[sflag:s24] =	ssyncadd.s32 $0xFFFFFFFF  }
0xae: {  	s26 =	simm.s32 $execute0_lowered;
	[smem:$0x3FD2] =	sst s25  }
0xaf: {  	s9 =	sshll.u32 s26, $0x1;
	_ =	strace $0x80000046;
	[dreg:$0x1] =	wrdreg $0xFFFFFFFF  }
0xb0: {  	s28 =	simm.s32 $_size_execute0_lowered;
	s8 =	sadd.s32 s8, s9;
	[dreg:$0x0] =	wrdreg $0x0  }
0xb1: {  	s9 =	sshll.u32 s28, $0x1;
	[dreg:$0x2] =	wrdreg s8  }
0xb2: {  	[dreg:$0x3] =	wrdreg s9  }
0xb3: {  	[dreg:$0x4] =	wrdreg $0xC0  }
0xb4: {  	_ =	task [dreg:s12], $0x5FFFF  }
0xb5: {  	[dreg:$0x1] =	wrdreg $0xFFFFFFFF  }
0xb6: {  	[dreg:$0x0] =	wrdreg $0x60  }
0xb7: {  	[dreg:$0x2] =	wrdreg s2  }
0xb8: {  	[dreg:$0x3] =	wrdreg s4  }
0xb9: {  	[dreg:$0x4] =	wrdreg s5  }
0xba: {  	[dreg:$0x5] =	wrdreg s6  }
0xbb: {  	[dreg:$0x6] =	wrdreg s17  }
0xbc: {  	[dreg:$0x7] =	wrdreg s18  }
0xbd: {  	[dreg:$0x8] =	wrdreg $0x9  }
0xbe: {  	_ =	task.clear_ibuf [dreg:s12], $0x9FFFF;
	_ =	strace $0x90000046  }
0xbf: {  	s29 =	simm.s32 $0x9;
	_ =	strace $0x80000048  }
0xc0: {  	_ =	swait.ge [sflag:s29], $0x1  }
0xc1: {  	[sflag:s29] =	ssyncadd.s32 $0xFFFFFFFF  }
0xc2: {  	_ =	strace $0x90000048  }
0xc3: {  	_ =	sfence  }
0xc4: {  	s30 =	sld [smem:$0x0];
	_ =	sdelay $0x2  }
0xc5: {  	s31 =	sshll.u32 s1, $0xD;
	s1 =	sshrl.u32 s1, $0x2  }
0xc6: {  	s3 =	sand.u32 $0x4000, s31;
	s1 =	sadd.s32 s1, s30  }
0xc7: {  	s0 =	sor.u32 s3, s0;
	s1 =	sshll.u32 s1, $0x11  }
0xc8: {  	s0 =	sor.u32 s1, s0  }
0xc9: {  	s0 =	sadd.s32 $0x8F2B, s0  }
0xca: {  	[sflag:s0] =	ssyncadd.remote.s32 $0x1  }
0xcb: {  	_ =	sfence.sel $0xFFFF  }
0xcc: {  	[dreg:$0x0] =	wrdreg $0xFFFFFFFF;
	(pc) =	sbr.abs _section_cstart, $3  }
0xcd: {  	[dreg:$0x1] =	wrdreg $0xFFFFFFFF  }
0xce: {  	_ =	task.clear_ibuf [dreg:s12], $0x2FFFF;
	_ =	strace $0x9FFFFFFF  }
0xcf: {  	(tm) =	ssettm $0x7FFFFFFF  }
tec
execute0_lowered:
.L_overlay_start_1:
0x0: {  	(tag) =	ssettag $0x1  }
0x1: {  	s0 =	rddreg [dreg:$0x0]  }
0x2: {  	s3 =	rddreg [dreg:$0x1]  }
0x3: {  	s1 =	rddreg [dreg:$0x2]  }
0x4: {  	s2 =	rddreg [dreg:$0x3]  }
0x5: {  	s5 =	rddreg [dreg:$0x4]  }
0x6: {  	s6 =	rddreg [dreg:$0x5]  }
0x7: {  	s4 =	simm.s32 $0x0;
	s7 =	srdreg.scid;
	s9 =	stileid.u32  }
0x8: {  	s18 =	simm.s32 $0x1;
	s19 =	simm.s32 $0x80;
	s21 =	simm.s32 $0x600  }
0x9: {  	s28 =	simm.s32 $0x780;
	s29 =	simm.s32 $0x40;
	s30 =	simm.s32 $0x800  }
0xa: {  	s20 =	simm.s32 $0x6800;
	s31 =	simm.s32 $0xC800;
	s7 =	sand.u32 $0x1, s7  }
0xb: {  	s9 =	sshll.u32 s9, $0xA;
	s8 =	ssub.s32 $0x2, s7;
	s7 =	sshll.u32 s7, $0x9  }
0xc: {  	s17 =	simm.s32 $0x2;
	[smem:$0x7FF] =	sst s4;
	s7 =	sor.u32 s7, s9  }
0xd: {  	_ =	strace $0x80000047;
	s10 =	sshrl.u32 s8, $0x1;
	s9 =	sshrl.u32 s7, $0x3  }
0xe: {  	s8 =	ssub.s32 s8, s10;
	s7 =	sshll.u32 s7, $0x4;
	s3 =	sadd.s32 s3, s9  }
0xf: {  	s0 =	sadd.s32 s0, s9;
	s7 =	sadd.s32 s5, s7;
	[dreg:$0x7] =	wrdreg s3  }
0x10: {  	s22 =	sadd.s32 s6, s9;
	s16 =	smax.u32 s8, $0x1;
	[dreg:$0x8] =	wrdreg s0  }
0x11: {  	s5 =	simm.s32 $0x3;
	s6 =	simm.s32 $0x0;
	[dreg:$0x9] =	wrdreg s22  }
0x12: {  	s23 =	sadd.s32 $0x400, s7;
	s24 =	sadd.s32 $0x800, s7;
	s25 =	sadd.s32 $0xC00, s7  }
0x13: {  	s26 =	sadd.s32 $0x1000, s7;
	s13 =	sadd.s32 $0x1400, s7;
	[dreg:$0xa] =	wrdreg s23  }
0x14: {  	s14 =	sadd.s32 $0x1800, s7;
	s15 =	sadd.s32 $0x1C00, s7;
	[dreg:$0xb] =	wrdreg s24  }
0x15: {  	s0 =	simm.s32 $0x2800;
	s3 =	simm.s32 $0x4800;
	[dreg:$0xc] =	wrdreg s25  }
0x16: {  	s22 =	simm.s32 $0x8800;
	[dreg:$0xd] =	wrdreg s26;
	s23 =	simm.s32 $0x680  }
0x17: {  	s25 =	simm.s32 $0x700;
	s26 =	simm.s32 $0xA800;
	s24 =	simm.s32 $0xE800  }
.LBB2_1:
0x18: {  	s8 =	rddreg [dreg:$0x7]  }
0x19: {  	[tilespmem:s4], [sflag:$0x1] =	stream.linear.gather [hbm4b:s8+s4], $0x200, $0x38;
	[tilespmem:$0x10800] =	vst v63  }
0x1a: {  	s12 =	rddreg [dreg:$0x8];
	s9 =	simm.s32 $0x200  }
0x1b: {  	[tilespmem:s9], [sflag:$0x1] =	stream.linear.gather [hbm4b:s12+s4], $0x200, $0x38;
	[tilespmem:$0x10800] =	vst v63  }
0x1c: {  	_ =	swait.ge [sflag:s18], $0x200  }
0x1d: {  	[sflag:s18] =	ssyncset.done $0x0  }
0x1e: {  	[sflag:s18] =	ssyncadd.s32 $0xFFFFFE00  }
0x1f: {  	_ =	swait.ge [sflag:s18], $0x200  }
0x20: {  	s11 =	simm.s32 $0x0;
	s10 =	simm.s32 $0x0;
	[sflag:s18] =	ssyncset.done $0x0  }
0x21: {  	s8 =	simm.s32 $0x0;
	s9 =	simm.s32 $0x10;
	[sflag:s18] =	ssyncadd.s32 $0xFFFFFE00  }
.LBB2_2:
0x22: {  	p0 =	sne.s32 s9, $0x1F0;
	v0 =	vld [tilespmem:s11+$0x0]  }
0x23: {  	v1 =	vld [tilespmem:s11+$0x200];
	_ =	sdelay $0x1  }
.Ltmp0:
0x24: {  	(pc) =	sbr.rel @p0 .LBB2_2-.Ltmp0, $4  }
0x25: {  	s11 =	sand.u32 $0x600, s8  }
0x26: {  	s12 =	sand.u32 $0x70, s10;
	s10 =	smov.u32 s9;
	s11 =	sshrl.u32 s11, $0x2;
	v0 =	vshll.u32 v0, $0x7  }
0x27: {  	s8 =	sadd.s32 $0x40, s8;
	s12 =	sor.u32 s12, s11;
	v0 =	vadd.s32 v1, v0  }
0x28: {  	s9 =	sadd.s32 $0x10, s9;
	s11 =	sshra.s32 s8, $0x2;
	[tilespmem:s12+$0x400] =	vst v0  }
0x29: {  	v0 =	vld [tilespmem:s11+$0x0]  }
0x2a: {  	v1 =	vld [tilespmem:s11+$0x200];
	_ =	sdelay $0x2  }
0x2b: {  	s8 =	sand.u32 $0x600, s8  }
0x2c: {  	s9 =	sand.u32 $0x70, s10;
	s8 =	sshrl.u32 s8, $0x2;
	v0 =	vshll.u32 v0, $0x7  }
0x2d: {  	s8 =	sor.u32 s9, s8;
	v0 =	vadd.s32 v1, v0  }
0x2e: {  	s12 =	simm.s32 $0x400;
	[tilespmem:s8+$0x400] =	vst v0  }
0x2f: {  	[tilespmem:s21], [sflag:$0x1] =	stream.indirect.gather [hbm4b:s1+s19], $0x1, s12, s19, $0xb8;
	[tilespmem:$0x10800] =	vst v63  }
0x30: {  	s9 =	simm.s32 $0x480  }
0x31: {  	[tilespmem:s23], [sflag:$0x1] =	stream.indirect.gather [hbm4b:s1+s19], $0x1, s9, s19, $0xb8;
	[tilespmem:$0x10800] =	vst v63  }
0x32: {  	s10 =	simm.s32 $0x500  }
0x33: {  	[tilespmem:s25], [sflag:$0x1] =	stream.indirect.gather [hbm4b:s1+s19], $0x1, s10, s19, $0xb8;
	[tilespmem:$0x10800] =	vst v63  }
0x34: {  	s11 =	simm.s32 $0x580  }
0x35: {  	[tilespmem:s28], [sflag:$0x1] =	stream.indirect.gather [hbm4b:s1+s19], $0x1, s11, s19, $0xb8;
	[tilespmem:$0x10800] =	vst v63  }
0x36: {  	_ =	swait.ge [sflag:s18], $0x80  }
0x37: {  	[sflag:s18] =	ssyncset.done $0x0  }
0x38: {  	[sflag:s18] =	ssyncadd.s32 $0xFFFFFF80  }
0x39: {  	[tilespmem:s30], [sflag:$0x2] =	stream.indirect.gather [hbm4b:s2+s29], $0x80, s21, s29, $0xb8;
	[tilespmem:$0x10800] =	vst v63  }
0x3a: {  	s12 =	simm.s32 $0x640  }
0x3b: {  	[tilespmem:s0], [sflag:$0x2] =	stream.indirect.gather [hbm4b:s2+s29], $0x80, s12, s29, $0xb8;
	[tilespmem:$0x10800] =	vst v63  }
0x3c: {  	_ =	swait.ge [sflag:s18], $0x80  }
0x3d: {  	[sflag:s18] =	ssyncset.done $0x0  }
0x3e: {  	[sflag:s18] =	ssyncadd.s32 $0xFFFFFF80  }
0x3f: {  	[tilespmem:s3], [sflag:$0x2] =	stream.indirect.gather [hbm4b:s2+s29], $0x80, s23, s29, $0xb8;
	[tilespmem:$0x10800] =	vst v63  }
0x40: {  	s9 =	simm.s32 $0x6C0  }
0x41: {  	[tilespmem:s20], [sflag:$0x2] =	stream.indirect.gather [hbm4b:s2+s29], $0x80, s9, s29, $0xb8;
	[tilespmem:$0x10800] =	vst v63  }
0x42: {  	_ =	swait.ge [sflag:s18], $0x80  }
0x43: {  	[sflag:s18] =	ssyncset.done $0x0  }
0x44: {  	[sflag:s18] =	ssyncadd.s32 $0xFFFFFF80  }
0x45: {  	[tilespmem:s22], [sflag:$0x2] =	stream.indirect.gather [hbm4b:s2+s29], $0x80, s25, s29, $0xb8;
	[tilespmem:$0x10800] =	vst v63  }
0x46: {  	s10 =	simm.s32 $0x740  }
0x47: {  	[tilespmem:s26], [sflag:$0x2] =	stream.indirect.gather [hbm4b:s2+s29], $0x80, s10, s29, $0xb8;
	[tilespmem:$0x10800] =	vst v63  }
0x48: {  	_ =	swait.ge [sflag:s18], $0x80  }
0x49: {  	[sflag:s18] =	ssyncset.done $0x0  }
0x4a: {  	[sflag:s18] =	ssyncadd.s32 $0xFFFFFF80  }
0x4b: {  	[tilespmem:s31], [sflag:$0x2] =	stream.indirect.gather [hbm4b:s2+s29], $0x80, s28, s29, $0xb8;
	[tilespmem:$0x10800] =	vst v63  }
0x4c: {  	s11 =	simm.s32 $0x7C0  }
0x4d: {  	[tilespmem:s24], [sflag:$0x2] =	stream.indirect.gather [hbm4b:s2+s29], $0x80, s11, s29, $0xb8;
	[tilespmem:$0x10800] =	vst v63  }
0x4e: {  	s12 =	rddreg [dreg:$0x9]  }
0x4f: {  	[hbm4b:s12+s4] =	stream.linear.scatter [tilespmem:s21], [sflag:$0x3], $0x200, $0x38;
	[tilespmem:$0x10800] =	vst v63  }
0x50: {  	_ =	swait.ge [sflag:s17], $0x2000  }
0x51: {  	[sflag:s17] =	ssyncset.done $0x0  }
0x52: {  	[sflag:s17] =	ssyncadd.s32 $0xFFFFE000  }
0x53: {  	[hbm4b:s7+s4] =	stream.linear.scatter [tilespmem:s30], [sflag:$0x3], $0x2000, $0x38;
	[tilespmem:$0x10800] =	vst v63  }
0x54: {  	_ =	swait.ge [sflag:s17], $0x2000  }
0x55: {  	[sflag:s17] =	ssyncset.done $0x0  }
0x56: {  	s9 =	rddreg [dreg:$0xa];
	[sflag:s17] =	ssyncadd.s32 $0xFFFFE000  }
0x57: {  	[hbm4b:s9+s4] =	stream.linear.scatter [tilespmem:s0], [sflag:$0x3], $0x2000, $0x38;
	[tilespmem:$0x10800] =	vst v63  }
0x58: {  	_ =	swait.ge [sflag:s17], $0x2000  }
0x59: {  	[sflag:s17] =	ssyncset.done $0x0  }
0x5a: {  	s10 =	rddreg [dreg:$0xb];
	[sflag:s17] =	ssyncadd.s32 $0xFFFFE000  }
0x5b: {  	[hbm4b:s10+s4] =	stream.linear.scatter [tilespmem:s3], [sflag:$0x3], $0x2000, $0x38;
	[tilespmem:$0x10800] =	vst v63  }
0x5c: {  	_ =	swait.ge [sflag:s17], $0x2000  }
0x5d: {  	[sflag:s17] =	ssyncset.done $0x0  }
0x5e: {  	s11 =	rddreg [dreg:$0xc];
	[sflag:s17] =	ssyncadd.s32 $0xFFFFE000  }
0x5f: {  	[hbm4b:s11+s4] =	stream.linear.scatter [tilespmem:s20], [sflag:$0x3], $0x2000, $0x38;
	[tilespmem:$0x10800] =	vst v63  }
0x60: {  	_ =	swait.ge [sflag:s17], $0x2000  }
0x61: {  	[sflag:s17] =	ssyncset.done $0x0  }
0x62: {  	s12 =	rddreg [dreg:$0xd];
	[sflag:s17] =	ssyncadd.s32 $0xFFFFE000  }
0x63: {  	[hbm4b:s12+s4] =	stream.linear.scatter [tilespmem:s22], [sflag:$0x3], $0x2000, $0x38;
	[tilespmem:$0x10800] =	vst v63  }
0x64: {  	_ =	swait.ge [sflag:s17], $0x2000  }
0x65: {  	[sflag:s17] =	ssyncset.done $0x0  }
0x66: {  	[sflag:s17] =	ssyncadd.s32 $0xFFFFE000  }
0x67: {  	[hbm4b:s13+s4] =	stream.linear.scatter [tilespmem:s26], [sflag:$0x3], $0x2000, $0x38;
	[tilespmem:$0x10800] =	vst v63  }
0x68: {  	_ =	swait.ge [sflag:s17], $0x2000  }
0x69: {  	[sflag:s17] =	ssyncset.done $0x0  }
0x6a: {  	[sflag:s17] =	ssyncadd.s32 $0xFFFFE000  }
0x6b: {  	[hbm4b:s14+s4] =	stream.linear.scatter [tilespmem:s31], [sflag:$0x3], $0x2000, $0x38;
	[tilespmem:$0x10800] =	vst v63  }
0x6c: {  	_ =	swait.ge [sflag:s17], $0x2000  }
0x6d: {  	[sflag:s17] =	ssyncset.done $0x0  }
0x6e: {  	[sflag:s17] =	ssyncadd.s32 $0xFFFFE000  }
0x6f: {  	[hbm4b:s15+s4] =	stream.linear.scatter [tilespmem:s24], [sflag:$0x3], $0x2000, $0x38;
	[tilespmem:$0x10800] =	vst v63  }
0x70: {  	_ =	swait.ge [sflag:s5], $0x200  }
0x71: {  	[sflag:s5] =	ssyncset.done $0x0  }
0x72: {  	[sflag:s5] =	ssyncadd.s32 $0xFFFFFE00  }
0x73: {  	_ =	swait.ge [sflag:s5], $0x2000  }
0x74: {  	[sflag:s5] =	ssyncset.done $0x0  }
0x75: {  	[sflag:s5] =	ssyncadd.s32 $0xFFFFE000  }
0x76: {  	_ =	swait.ge [sflag:s5], $0x2000  }
0x77: {  	[sflag:s5] =	ssyncset.done $0x0  }
0x78: {  	[sflag:s5] =	ssyncadd.s32 $0xFFFFE000  }
0x79: {  	_ =	swait.ge [sflag:s5], $0x2000  }
0x7a: {  	[sflag:s5] =	ssyncset.done $0x0  }
0x7b: {  	[sflag:s5] =	ssyncadd.s32 $0xFFFFE000  }
0x7c: {  	_ =	swait.ge [sflag:s5], $0x2000  }
0x7d: {  	[sflag:s5] =	ssyncset.done $0x0  }
0x7e: {  	[sflag:s5] =	ssyncadd.s32 $0xFFFFE000  }
0x7f: {  	_ =	swait.ge [sflag:s5], $0x2000  }
0x80: {  	[sflag:s5] =	ssyncset.done $0x0  }
0x81: {  	[sflag:s5] =	ssyncadd.s32 $0xFFFFE000  }
0x82: {  	_ =	swait.ge [sflag:s5], $0x2000  }
0x83: {  	[sflag:s5] =	ssyncset.done $0x0  }
0x84: {  	s6 =	sadd.s32 $0x1, s6;
	[sflag:s5] =	ssyncadd.s32 $0xFFFFE000  }
0x85: {  	p0 =	sne.s32 s6, s16;
	_ =	swait.ge [sflag:s5], $0x2000  }
.Ltmp1:
0x86: {  	[sflag:s5] =	ssyncset.done $0x0;
	(pc) =	sbr.rel @p0 .LBB2_1-.Ltmp1, $4  }
0x87: {  	[sflag:s5] =	ssyncadd.s32 $0xFFFFE000  }
0x88: {  	_ =	swait.ge [sflag:s5], $0x2000  }
0x89: {  	[sflag:s5] =	ssyncset.done $0x0  }
0x8a: {  	[sflag:s5] =	ssyncadd.s32 $0xFFFFE000  }
0x8b: {  	_ =	sfence.sel $0x180000  }
0x8c: {  	[bflag:$0x0] =	sbarrier.arrive $0xFFFF  }
0x8d: {  	_ =	strace $0x90000047  }
0x8e: {  	s0 =	stileid.u32;
	[bflag:$0x2] =	sbarrier.arrive $0xFFFF  }
0x8f: {  	p0 =	sne.s32 s0, $0x0;
	s0 =	rddreg [dreg:$0x6]  }
0x90: {  	s0 =	sadd.s32 @!p0 $0x100000, s0  }
0x91: {  	[sflag:s0] =	ssyncadd.tile.s32 @!p0 $0x1;
	_ =	shalt  }
.Lfunc_end2:
_tile_overlayer_lowered:
.L_overlay_start_2:
0x92: {  	(tag) =	ssettag $0x2  }
0x93: {  	s0 =	rddreg [dreg:$0x0];
	s2 =	stileid.u32  }
0x94: {  	s1 =	rddreg [dreg:$0x1];
	p0 =	sne.s32 s2, $0x0  }
0x95: {  	s3 =	rddreg [dreg:$0x2];
	[bflag:$0x3] =	sbarrier.arrive $0xFFFF;
	s2 =	simm.s32 @!p0 $0x1C04  }
0x96: {  	[timem:s3], [sflag:s2] =	dma.local @!p0 [hbm:s0], s1  }
0x97: {  	s0 =	simm.s32 @!p0 $0x4  }
0x98: {  	_ =	swait.ge @!p0 [sflag:s0], s1  }
0x99: {  	s1 =	ssub.s32 @!p0 $0x0, s1;
	[sflag:s0] =	ssyncset.done @!p0 $0x0  }
0x9a: {  	[sflag:s0] =	ssyncadd.s32 @!p0 s1  }
0x9b: {  	[bflag:$0x3] =	sbarrier.arrive $0xFFFF  }
0x9c: {  	_ =	shalt  }

</sc_bundles>
